<compile_context>
chip_gen: v7x
topology: tpu7x:2x2x1
jax: 0.10.2.dev20260603
libtpu: 0.0.44.dev20260713+nightly
codegen_flags: <defaults>
</compile_context>

<pallas_src>
import functools

import jax
import jax.numpy as jnp
from jax import lax
from jax.experimental import pallas as pl
from jax.experimental.pallas import tpu as pltpu
from jax.experimental.pallas import tpu_sc as plsc


def _sc_gather(flat_idx, table):
    R = flat_idx.shape[0]
    D = table.shape[1]
    info = plsc.get_sparse_core_info()
    nw = info.num_cores * info.num_subcores
    per_w = R // nw
    ch = 80
    mesh = plsc.VectorSubcoreMesh(core_axis_name="c", subcore_axis_name="s")

    @functools.partial(
        pl.kernel,
        mesh=mesh,
        out_type=jax.ShapeDtypeStruct((R, D), jnp.float32),
        scratch_types=[
            pltpu.VMEM((per_w,), jnp.int32),
            pltpu.VMEM((ch, D), jnp.float32),
            pltpu.VMEM((ch, D), jnp.float32),
            pltpu.SemaphoreType.DMA,
            pltpu.SemaphoreType.DMA,
        ],
    )
    def gk(idx_hbm, tab_hbm, out_hbm, idx_v, rows0, rows1, gsem, osem):
        wid = lax.axis_index("s") * info.num_cores + lax.axis_index("c")
        base = wid * per_w
        pltpu.sync_copy(idx_hbm.at[pl.ds(base, per_w)], idx_v)
        bufs = (rows0, rows1)
        nch = per_w // ch
        g = pltpu.async_copy(tab_hbm.at[idx_v.at[pl.ds(0, ch)]],
                             bufs[0], gsem)
        outs = [None] * nch
        for j in range(nch):
            g.wait()
            if j >= 1:
                outs[j - 1].wait()
            if j + 1 < nch:
                g = pltpu.async_copy(
                    tab_hbm.at[idx_v.at[pl.ds((j + 1) * ch, ch)]],
                    bufs[(j + 1) % 2], gsem)
            outs[j] = pltpu.async_copy(
                bufs[j % 2], out_hbm.at[pl.ds(base + j * ch, ch)], osem)
        outs[nch - 1].wait()

    return gk(flat_idx, table)


def _char_body(bb, L, Wc, CV, cidx_ref, ctab_ref, cw_ref, cb_ref, out_ref):
    n = L * Wc
    ctab = ctab_ref[...]
    taps = [
        lax.dot_general(ctab, cw_ref[k], (((1,), (1,)), ((), ())),
                        preferred_element_type=jnp.float32)
        for k in range(3)
    ]
    taps[1] = taps[1] + cb_ref[...]
    P = jnp.concatenate(taps, axis=1).astype(jnp.bfloat16)

    idxT = jnp.transpose(cidx_ref[...])
    iota = lax.broadcasted_iota(jnp.int16, (n, CV), 1)
    cb = cb_ref[...]
    z = jnp.zeros((1, 64), jnp.float32)
    for b in range(bb):
        col = lax.slice(idxT, (0, b), (n, b + 1)).astype(jnp.int16)
        oh = jnp.where(col == iota, jnp.bfloat16(1.0),
                       jnp.bfloat16(0.0))
        T = jnp.dot(oh, P, preferred_element_type=jnp.float32)
        conv = (jnp.concatenate([z, T[:-1, 0:64]], axis=0)
                + T[:, 64:128]
                + jnp.concatenate([T[1:, 128:192], z], axis=0))
        conv = jnp.maximum(conv, 0.0)
        m = conv.reshape(L, Wc, 64)
        w = Wc
        while w > 1:
            w //= 2
            m = jnp.maximum(m[:, :w], m[:, w:])
        out_ref[b * L:(b + 1) * L, :] = m.reshape(L, 64)


def _fuse_body(cf_ref, wemb_ref, pw_ref,
               gt0w_ref, gt0b_ref, gt1w_ref, gt1b_ref, out_ref):
    wp = jnp.dot(wemb_ref[...], pw_ref[...],
                 preferred_element_type=jnp.float32)
    emb = jnp.concatenate([wp, cf_ref[...]], axis=1)
    h = emb.shape[1]
    for gtw_ref, gtb_ref in ((gt0w_ref, gt0b_ref), (gt1w_ref, gt1b_ref)):
        pre = jnp.dot(emb, gtw_ref[...],
                      preferred_element_type=jnp.float32) + gtb_ref[...]
        g = 1.0 / (1.0 + jnp.exp(-pre[:, :h]))
        t = jnp.maximum(pre[:, h:], 0.0)
        emb = g * t + (1.0 - g) * emb
    out_ref[...] = emb


def kernel(word_idxs, char_idxs, word_table, char_table, conv_w, conv_b,
           proj_w, g0_w, g0_b, t0_w, t0_b, g1_w, g1_b, t1_w, t1_b):
    B, L = word_idxs.shape
    Wc = char_idxs.shape[2]
    CV = char_table.shape[0]
    HID = g0_w.shape[0]

    word_emb = _sc_gather(word_idxs.reshape(-1), word_table)

    cidx2 = char_idxs.reshape(B, L * Wc)
    cw3 = jnp.transpose(conv_w, (2, 0, 1))
    cb2 = conv_b.reshape(1, -1)
    gt0_w = jnp.concatenate([g0_w, t0_w], axis=1)
    gt1_w = jnp.concatenate([g1_w, t1_w], axis=1)
    gt0_b = jnp.concatenate([g0_b, t0_b]).reshape(1, -1)
    gt1_b = jnp.concatenate([g1_b, t1_b]).reshape(1, -1)

    bb = 8
    n = L * Wc
    cf = pl.pallas_call(
        functools.partial(_char_body, bb, L, Wc, CV),
        grid=(B // bb,),
        in_specs=[
            pl.BlockSpec((bb, n), lambda i: (i, 0)),
            pl.BlockSpec(char_table.shape, lambda i: (0, 0)),
            pl.BlockSpec(cw3.shape, lambda i: (0, 0, 0)),
            pl.BlockSpec(cb2.shape, lambda i: (0, 0)),
        ],
        out_specs=pl.BlockSpec((bb * L, HID // 2), lambda i: (i, 0)),
        out_shape=jax.ShapeDtypeStruct((B * L, HID // 2), jnp.float32),
    )(cidx2, char_table, cw3, cb2)

    bf = 64
    out = pl.pallas_call(
        _fuse_body,
        grid=(B // bf,),
        in_specs=[
            pl.BlockSpec((bf * L, HID // 2), lambda i: (i, 0)),
            pl.BlockSpec((bf * L, HID), lambda i: (i, 0)),
            pl.BlockSpec(proj_w.shape, lambda i: (0, 0)),
            pl.BlockSpec(gt0_w.shape, lambda i: (0, 0)),
            pl.BlockSpec(gt0_b.shape, lambda i: (0, 0)),
            pl.BlockSpec(gt1_w.shape, lambda i: (0, 0)),
            pl.BlockSpec(gt1_b.shape, lambda i: (0, 0)),
        ],
        out_specs=pl.BlockSpec((bf * L, HID), lambda i: (i, 0)),
        out_shape=jax.ShapeDtypeStruct((B * L, HID), jnp.float32),
    )(cf, word_emb, proj_w, gt0_w, gt0_b, gt1_w, gt1_b)

    return out.reshape(B, L, HID)

# --- scband reference (transcript-rebuilt; emitter-appended) ---
"""Pipeline reference for scband-embedding-90469191123427 (READ-ONLY COPY).

The authoritative reference and input builder live on the scoring server;
editing this copy changes nothing except your own understanding.
"""

import jax, jax.numpy as jnp
import numpy as np
from jax import lax

B, L, W = 1024, 50, 16
WVOCAB, WDIM = 100000, 128
CVOCAB, CDIM = 256, 64
HID = 128  # hidden_size; hidden//2 == CDIM so the reshape-to-(B,L,W,CDIM) is consistent


def setup_inputs(seed: int = 0) -> dict:
    key = jax.random.key(seed)
    ks = jax.random.split(key, 16)
    inp = {}
    inp['word_idxs'] = jax.random.randint(ks[0], (B, L), 0, WVOCAB, dtype=jnp.int32)
    inp['char_idxs'] = jax.random.randint(ks[1], (B, L, W), 0, CVOCAB, dtype=jnp.int32)
    inp['word_table'] = jax.random.normal(ks[2], (WVOCAB, WDIM), dtype=jnp.float32) * 0.02
    inp['char_table'] = jax.random.normal(ks[3], (CVOCAB, CDIM), dtype=jnp.float32) * 0.02
    inp['conv_w'] = jax.random.normal(ks[4], (HID // 2, CDIM, 3), dtype=jnp.float32) * 0.05  # OIW
    inp['conv_b'] = jnp.zeros((HID // 2,), dtype=jnp.float32)
    inp['proj_w'] = jax.random.normal(ks[5], (WDIM, HID // 2), dtype=jnp.float32) * 0.05
    inp['g0_w'] = jax.random.normal(ks[6], (HID, HID), dtype=jnp.float32) * 0.05
    inp['g0_b'] = jnp.zeros((HID,), dtype=jnp.float32)
    inp['t0_w'] = jax.random.normal(ks[7], (HID, HID), dtype=jnp.float32) * 0.05
    inp['t0_b'] = jnp.zeros((HID,), dtype=jnp.float32)
    inp['g1_w'] = jax.random.normal(ks[8], (HID, HID), dtype=jnp.float32) * 0.05
    inp['g1_b'] = jnp.zeros((HID,), dtype=jnp.float32)
    inp['t1_w'] = jax.random.normal(ks[9], (HID, HID), dtype=jnp.float32) * 0.05
    inp['t1_b'] = jnp.zeros((HID,), dtype=jnp.float32)
    return inp


def reference(word_idxs, char_idxs, word_table, char_table, conv_w, conv_b, proj_w,
              g0_w, g0_b, t0_w, t0_b, g1_w, g1_b, t1_w, t1_b):
    # word / char embedding lookups (SparseCore-style gathers)
    word_emb = jnp.take(word_table, word_idxs, axis=0)          # (B, L, WDIM)
    char_emb = jnp.take(char_table, char_idxs, axis=0)          # (B, L, W, CDIM)

    # flatten words, run char conv over flattened char sequence (as in original forward)
    ce = char_emb.reshape(char_emb.shape[0], char_emb.shape[1] * char_emb.shape[2], char_emb.shape[3])
    ce = jnp.swapaxes(ce, -1, -2)                               # (B, CDIM, L*W)
    ce = lax.conv_general_dilated(ce, conv_w, window_strides=(1,), padding=[(1, 1)],
                                  dimension_numbers=('NCH', 'OIH', 'NCH'))
    ce = ce + conv_b[None, :, None]                             # (B, HID//2, L*W)
    ce = jnp.swapaxes(ce, -1, -2)                               # (B, L*W, HID//2)
    ce = jax.nn.relu(ce)
    ce = ce.reshape(char_emb.shape[0], char_emb.shape[1], -1, char_emb.shape[3])  # (B, L, W, CDIM)
    char_feat = jnp.max(ce, axis=2)                             # (B, L, HID//2)

    # dropout is identity in eval mode
    word_proj = word_emb @ proj_w                               # (B, L, HID//2)
    emb = jnp.concatenate([word_proj, char_feat], axis=2)       # (B, L, HID)

    # 2-layer Highway encoder
    for gw, gb, tw, tb in ((g0_w, g0_b, t0_w, t0_b), (g1_w, g1_b, t1_w, t1_b)):
        g = jax.nn.sigmoid(emb @ gw + gb)
        t = jax.nn.relu(emb @ tw + tb)
        emb = g * t + (1.0 - g) * emb
    return emb

if __name__ == "__main__":
    import jax
    _d = setup_inputs()
    print(jax.jit(kernel)(*tuple(_d.values())))

</pallas_src>

<mosaic_0001>
#map = affine_map<(d0, d1) -> (0)>
#map1 = affine_map<(d0, d1) -> (0, 0)>
module attributes {stable_mosaic.version = 14 : i64} {
  func.func @gk(%arg0: i32, %arg1: i32, %arg2: memref<51200xi32, #tpu.memory_space<hbm>>, %arg3: memref<100000x128xf32, #tpu.memory_space<hbm>>, %arg4: memref<51200x128xf32, #tpu.memory_space<hbm>>, %arg5: memref<1600xi32, #tpu.memory_space<vmem>>, %arg6: memref<80x128xf32, #tpu.memory_space<vmem>>, %arg7: memref<80x128xf32, #tpu.memory_space<vmem>>, %arg8: memref<!tpu.dma_semaphore, #tpu.memory_space<semaphore_mem>>, %arg9: memref<!tpu.dma_semaphore, #tpu.memory_space<semaphore_mem>>) attributes {dimension_semantics = [#tpu.dimension_semantics<core_parallel>, #tpu.dimension_semantics<subcore_parallel>], iteration_bounds = array<i64: 2, 16>, scalar_prefetch = 0 : i64, scratch_operands = 5 : i64, tpu.core_type = #tpu.core_type<sc_vector_subcore>, window_params = [{transform_indices = #map}, {transform_indices = #map1}, {transform_indices = #map1}]} {
    %mul3A = arith.constant 2 : i32
    %mul3A_0 = arith.muli %arg1, %mul3A : i32
    %add3A = arith.addi %mul3A_0, %arg0 : i32
    %mul3A_1 = arith.constant 1600 : i32
    %mul3A_2 = arith.muli %add3A, %mul3A_1 : i32
    "tpu.region"() ({
      %run_scoped3A = tpu.sem_alloc : memref<!tpu.dma_semaphore, #tpu.memory_space<semaphore_mem>>
      %dma_start3A_401 = tpu.memref_slice %arg2[%mul3A_2] : memref<51200xi32, #tpu.memory_space<hbm>> -> memref<1600xi32, #tpu.memory_space<hbm>>
      %dma_start3A_402 = tpu.memref_slice %arg2[%mul3A_2] : memref<51200xi32, #tpu.memory_space<hbm>> -> memref<1600xi32, #tpu.memory_space<hbm>>
      tpu.enqueue_dma source(%dma_start3A_402 : memref<1600xi32, #tpu.memory_space<hbm>>) target(%arg5 : memref<1600xi32, #tpu.memory_space<vmem>>) target_semaphore(%run_scoped3A : memref<!tpu.dma_semaphore, #tpu.memory_space<semaphore_mem>>)
      %dma_wait3A_403 = tpu.memref_slice %arg2[%mul3A_2] : memref<51200xi32, #tpu.memory_space<hbm>> -> memref<1600xi32, #tpu.memory_space<hbm>>
      %dma_wait3A_404 = tpu.memref_slice %arg2[%mul3A_2] : memref<51200xi32, #tpu.memory_space<hbm>> -> memref<1600xi32, #tpu.memory_space<hbm>>
      tpu.wait_dma2 semaphore(%run_scoped3A : memref<!tpu.dma_semaphore, #tpu.memory_space<semaphore_mem>>) src(%dma_wait3A_404 : memref<1600xi32, #tpu.memory_space<hbm>>) dst(%arg5 : memref<1600xi32, #tpu.memory_space<vmem>>)
      tpu.yield
    }) : () -> ()
    %dma_start3A = arith.constant 0 : i32
    %dma_start3A_3 = tpu.memref_slice %arg5[%dma_start3A] : memref<1600xi32, #tpu.memory_space<vmem>> -> memref<80xi32, #tpu.memory_space<vmem>>
    %dma_start3A_4 = arith.constant 0 : i32
    %dma_start3A_5 = arith.constant 0 : i32
    %dma_start3A_6 = tpu.memref_slice %arg3[%dma_start3A_4, %dma_start3A_5] : memref<100000x128xf32, #tpu.memory_space<hbm>> -> memref<100000x128xf32, #tpu.memory_space<hbm>>
    tpu.enqueue_indirect_dma source(%dma_start3A_6 : memref<100000x128xf32, #tpu.memory_space<hbm>>) target(%arg6 : memref<80x128xf32, #tpu.memory_space<vmem>>) offsets(%dma_start3A_3 : memref<80xi32, #tpu.memory_space<vmem>>) semaphore(%arg8 : memref<!tpu.dma_semaphore, #tpu.memory_space<semaphore_mem>>)
    %dma_wait3A = arith.constant 0 : i32
    %dma_wait3A_7 = tpu.memref_slice %arg5[%dma_wait3A] : memref<1600xi32, #tpu.memory_space<vmem>> -> memref<80xi32, #tpu.memory_space<vmem>>
    %dma_wait3A_8 = arith.constant 0 : i32
    %dma_wait3A_9 = arith.constant 0 : i32
    %dma_wait3A_10 = tpu.memref_slice %arg3[%dma_wait3A_8, %dma_wait3A_9] : memref<100000x128xf32, #tpu.memory_space<hbm>> -> memref<100000x128xf32, #tpu.memory_space<hbm>>
    tpu.wait_indirect_dma semaphore(%arg8 : memref<!tpu.dma_semaphore, #tpu.memory_space<semaphore_mem>>) src(%dma_wait3A_10 : memref<100000x128xf32, #tpu.memory_space<hbm>>) dst(%arg6 : memref<80x128xf32, #tpu.memory_space<vmem>>)
    %dma_start3A_11 = arith.constant 80 : i32
    %dma_start3A_12 = tpu.memref_slice %arg5[%dma_start3A_11] : memref<1600xi32, #tpu.memory_space<vmem>> -> memref<80xi32, #tpu.memory_space<vmem>>
    %dma_start3A_13 = arith.constant 0 : i32
    %dma_start3A_14 = arith.constant 0 : i32
    %dma_start3A_15 = tpu.memref_slice %arg3[%dma_start3A_13, %dma_start3A_14] : memref<100000x128xf32, #tpu.memory_space<hbm>> -> memref<100000x128xf32, #tpu.memory_space<hbm>>
    tpu.enqueue_indirect_dma source(%dma_start3A_15 : memref<100000x128xf32, #tpu.memory_space<hbm>>) target(%arg7 : memref<80x128xf32, #tpu.memory_space<vmem>>) offsets(%dma_start3A_12 : memref<80xi32, #tpu.memory_space<vmem>>) semaphore(%arg8 : memref<!tpu.dma_semaphore, #tpu.memory_space<semaphore_mem>>)
    %add3A_16 = arith.constant 0 : i32
    %add3A_17 = arith.addi %mul3A_2, %add3A_16 : i32
    %dma_start3A_18 = arith.constant 0 : i32
    %dma_start3A_19 = tpu.memref_slice %arg4[%add3A_17, %dma_start3A_18] : memref<51200x128xf32, #tpu.memory_space<hbm>> -> memref<80x128xf32, #tpu.memory_space<hbm>>
    %dma_start3A_20 = arith.constant 0 : i32
    %dma_start3A_21 = tpu.memref_slice %arg4[%add3A_17, %dma_start3A_20] : memref<51200x128xf32, #tpu.memory_space<hbm>> -> memref<80x128xf32, #tpu.memory_space<hbm>>
    tpu.enqueue_dma source(%arg6 : memref<80x128xf32, #tpu.memory_space<vmem>>) target(%dma_start3A_21 : memref<80x128xf32, #tpu.memory_space<hbm>>) target_semaphore(%arg9 : memref<!tpu.dma_semaphore, #tpu.memory_space<semaphore_mem>>)
    %dma_wait3A_22 = arith.constant 80 : i32
    %dma_wait3A_23 = tpu.memref_slice %arg5[%dma_wait3A_22] : memref<1600xi32, #tpu.memory_space<vmem>> -> memref<80xi32, #tpu.memory_space<vmem>>
    %dma_wait3A_24 = arith.constant 0 : i32
    %dma_wait3A_25 = arith.constant 0 : i32
    %dma_wait3A_26 = tpu.memref_slice %arg3[%dma_wait3A_24, %dma_wait3A_25] : memref<100000x128xf32, #tpu.memory_space<hbm>> -> memref<100000x128xf32, #tpu.memory_space<hbm>>
    tpu.wait_indirect_dma semaphore(%arg8 : memref<!tpu.dma_semaphore, #tpu.memory_space<semaphore_mem>>) src(%dma_wait3A_26 : memref<100000x128xf32, #tpu.memory_space<hbm>>) dst(%arg7 : memref<80x128xf32, #tpu.memory_space<vmem>>)
    %dma_wait3A_27 = arith.constant 0 : i32
    %dma_wait3A_28 = tpu.memref_slice %arg4[%add3A_17, %dma_wait3A_27] : memref<51200x128xf32, #tpu.memory_space<hbm>> -> memref<80x128xf32, #tpu.memory_space<hbm>>
    %dma_wait3A_29 = arith.constant 0 : i32
    %dma_wait3A_30 = tpu.memref_slice %arg4[%add3A_17, %dma_wait3A_29] : memref<51200x128xf32, #tpu.memory_space<hbm>> -> memref<80x128xf32, #tpu.memory_space<hbm>>
    tpu.wait_dma2 semaphore(%arg9 : memref<!tpu.dma_semaphore, #tpu.memory_space<semaphore_mem>>) src(%arg6 : memref<80x128xf32, #tpu.memory_space<vmem>>) dst(%dma_wait3A_30 : memref<80x128xf32, #tpu.memory_space<hbm>>)
    %dma_start3A_31 = arith.constant 160 : i32
    %dma_start3A_32 = tpu.memref_slice %arg5[%dma_start3A_31] : memref<1600xi32, #tpu.memory_space<vmem>> -> memref<80xi32, #tpu.memory_space<vmem>>
    %dma_start3A_33 = arith.constant 0 : i32
    %dma_start3A_34 = arith.constant 0 : i32
    %dma_start3A_35 = tpu.memref_slice %arg3[%dma_start3A_33, %dma_start3A_34] : memref<100000x128xf32, #tpu.memory_space<hbm>> -> memref<100000x128xf32, #tpu.memory_space<hbm>>
    tpu.enqueue_indirect_dma source(%dma_start3A_35 : memref<100000x128xf32, #tpu.memory_space<hbm>>) target(%arg6 : memref<80x128xf32, #tpu.memory_space<vmem>>) offsets(%dma_start3A_32 : memref<80xi32, #tpu.memory_space<vmem>>) semaphore(%arg8 : memref<!tpu.dma_semaphore, #tpu.memory_space<semaphore_mem>>)
    %add3A_36 = arith.constant 80 : i32
    %add3A_37 = arith.addi %mul3A_2, %add3A_36 : i32
    %dma_start3A_38 = arith.constant 0 : i32
    %dma_start3A_39 = tpu.memref_slice %arg4[%add3A_37, %dma_start3A_38] : memref<51200x128xf32, #tpu.memory_space<hbm>> -> memref<80x128xf32, #tpu.memory_space<hbm>>
    %dma_start3A_40 = arith.constant 0 : i32
    %dma_start3A_41 = tpu.memref_slice %arg4[%add3A_37, %dma_start3A_40] : memref<51200x128xf32, #tpu.memory_space<hbm>> -> memref<80x128xf32, #tpu.memory_space<hbm>>
    tpu.enqueue_dma source(%arg7 : memref<80x128xf32, #tpu.memory_space<vmem>>) target(%dma_start3A_41 : memref<80x128xf32, #tpu.memory_space<hbm>>) target_semaphore(%arg9 : memref<!tpu.dma_semaphore, #tpu.memory_space<semaphore_mem>>)
    %dma_wait3A_42 = arith.constant 160 : i32
    %dma_wait3A_43 = tpu.memref_slice %arg5[%dma_wait3A_42] : memref<1600xi32, #tpu.memory_space<vmem>> -> memref<80xi32, #tpu.memory_space<vmem>>
    %dma_wait3A_44 = arith.constant 0 : i32
    %dma_wait3A_45 = arith.constant 0 : i32
    %dma_wait3A_46 = tpu.memref_slice %arg3[%dma_wait3A_44, %dma_wait3A_45] : memref<100000x128xf32, #tpu.memory_space<hbm>> -> memref<100000x128xf32, #tpu.memory_space<hbm>>
    tpu.wait_indirect_dma semaphore(%arg8 : memref<!tpu.dma_semaphore, #tpu.memory_space<semaphore_mem>>) src(%dma_wait3A_46 : memref<100000x128xf32, #tpu.memory_space<hbm>>) dst(%arg6 : memref<80x128xf32, #tpu.memory_space<vmem>>)
    %dma_wait3A_47 = arith.constant 0 : i32
    %dma_wait3A_48 = tpu.memref_slice %arg4[%add3A_37, %dma_wait3A_47] : memref<51200x128xf32, #tpu.memory_space<hbm>> -> memref<80x128xf32, #tpu.memory_space<hbm>>
    %dma_wait3A_49 = arith.constant 0 : i32
    %dma_wait3A_50 = tpu.memref_slice %arg4[%add3A_37, %dma_wait3A_49] : memref<51200x128xf32, #tpu.memory_space<hbm>> -> memref<80x128xf32, #tpu.memory_space<hbm>>
    tpu.wait_dma2 semaphore(%arg9 : memref<!tpu.dma_semaphore, #tpu.memory_space<semaphore_mem>>) src(%arg7 : memref<80x128xf32, #tpu.memory_space<vmem>>) dst(%dma_wait3A_50 : memref<80x128xf32, #tpu.memory_space<hbm>>)
    %dma_start3A_51 = arith.constant 240 : i32
    %dma_start3A_52 = tpu.memref_slice %arg5[%dma_start3A_51] : memref<1600xi32, #tpu.memory_space<vmem>> -> memref<80xi32, #tpu.memory_space<vmem>>
    %dma_start3A_53 = arith.constant 0 : i32
    %dma_start3A_54 = arith.constant 0 : i32
    %dma_start3A_55 = tpu.memref_slice %arg3[%dma_start3A_53, %dma_start3A_54] : memref<100000x128xf32, #tpu.memory_space<hbm>> -> memref<100000x128xf32, #tpu.memory_space<hbm>>
    tpu.enqueue_indirect_dma source(%dma_start3A_55 : memref<100000x128xf32, #tpu.memory_space<hbm>>) target(%arg7 : memref<80x128xf32, #tpu.memory_space<vmem>>) offsets(%dma_start3A_52 : memref<80xi32, #tpu.memory_space<vmem>>) semaphore(%arg8 : memref<!tpu.dma_semaphore, #tpu.memory_space<semaphore_mem>>)
    %add3A_56 = arith.constant 160 : i32
    %add3A_57 = arith.addi %mul3A_2, %add3A_56 : i32
    %dma_start3A_58 = arith.constant 0 : i32
    %dma_start3A_59 = tpu.memref_slice %arg4[%add3A_57, %dma_start3A_58] : memref<51200x128xf32, #tpu.memory_space<hbm>> -> memref<80x128xf32, #tpu.memory_space<hbm>>
    %dma_start3A_60 = arith.constant 0 : i32
    %dma_start3A_61 = tpu.memref_slice %arg4[%add3A_57, %dma_start3A_60] : memref<51200x128xf32, #tpu.memory_space<hbm>> -> memref<80x128xf32, #tpu.memory_space<hbm>>
    tpu.enqueue_dma source(%arg6 : memref<80x128xf32, #tpu.memory_space<vmem>>) target(%dma_start3A_61 : memref<80x128xf32, #tpu.memory_space<hbm>>) target_semaphore(%arg9 : memref<!tpu.dma_semaphore, #tpu.memory_space<semaphore_mem>>)
    %dma_wait3A_62 = arith.constant 240 : i32
    %dma_wait3A_63 = tpu.memref_slice %arg5[%dma_wait3A_62] : memref<1600xi32, #tpu.memory_space<vmem>> -> memref<80xi32, #tpu.memory_space<vmem>>
    %dma_wait3A_64 = arith.constant 0 : i32
    %dma_wait3A_65 = arith.constant 0 : i32
    %dma_wait3A_66 = tpu.memref_slice %arg3[%dma_wait3A_64, %dma_wait3A_65] : memref<100000x128xf32, #tpu.memory_space<hbm>> -> memref<100000x128xf32, #tpu.memory_space<hbm>>
    tpu.wait_indirect_dma semaphore(%arg8 : memref<!tpu.dma_semaphore, #tpu.memory_space<semaphore_mem>>) src(%dma_wait3A_66 : memref<100000x128xf32, #tpu.memory_space<hbm>>) dst(%arg7 : memref<80x128xf32, #tpu.memory_space<vmem>>)
    %dma_wait3A_67 = arith.constant 0 : i32
    %dma_wait3A_68 = tpu.memref_slice %arg4[%add3A_57, %dma_wait3A_67] : memref<51200x128xf32, #tpu.memory_space<hbm>> -> memref<80x128xf32, #tpu.memory_space<hbm>>
    %dma_wait3A_69 = arith.constant 0 : i32
    %dma_wait3A_70 = tpu.memref_slice %arg4[%add3A_57, %dma_wait3A_69] : memref<51200x128xf32, #tpu.memory_space<hbm>> -> memref<80x128xf32, #tpu.memory_space<hbm>>
    tpu.wait_dma2 semaphore(%arg9 : memref<!tpu.dma_semaphore, #tpu.memory_space<semaphore_mem>>) src(%arg6 : memref<80x128xf32, #tpu.memory_space<vmem>>) dst(%dma_wait3A_70 : memref<80x128xf32, #tpu.memory_space<hbm>>)
    %dma_start3A_71 = arith.constant 320 : i32
    %dma_start3A_72 = tpu.memref_slice %arg5[%dma_start3A_71] : memref<1600xi32, #tpu.memory_space<vmem>> -> memref<80xi32, #tpu.memory_space<vmem>>
    %dma_start3A_73 = arith.constant 0 : i32
    %dma_start3A_74 = arith.constant 0 : i32
    %dma_start3A_75 = tpu.memref_slice %arg3[%dma_start3A_73, %dma_start3A_74] : memref<100000x128xf32, #tpu.memory_space<hbm>> -> memref<100000x128xf32, #tpu.memory_space<hbm>>
    tpu.enqueue_indirect_dma source(%dma_start3A_75 : memref<100000x128xf32, #tpu.memory_space<hbm>>) target(%arg6 : memref<80x128xf32, #tpu.memory_space<vmem>>) offsets(%dma_start3A_72 : memref<80xi32, #tpu.memory_space<vmem>>) semaphore(%arg8 : memref<!tpu.dma_semaphore, #tpu.memory_space<semaphore_mem>>)
    %add3A_76 = arith.constant 240 : i32
    %add3A_77 = arith.addi %mul3A_2, %add3A_76 : i32
    %dma_start3A_78 = arith.constant 0 : i32
    %dma_start3A_79 = tpu.memref_slice %arg4[%add3A_77, %dma_start3A_78] : memref<51200x128xf32, #tpu.memory_space<hbm>> -> memref<80x128xf32, #tpu.memory_space<hbm>>
    %dma_start3A_80 = arith.constant 0 : i32
    %dma_start3A_81 = tpu.memref_slice %arg4[%add3A_77, %dma_start3A_80] : memref<51200x128xf32, #tpu.memory_space<hbm>> -> memref<80x128xf32, #tpu.memory_space<hbm>>
    tpu.enqueue_dma source(%arg7 : memref<80x128xf32, #tpu.memory_space<vmem>>) target(%dma_start3A_81 : memref<80x128xf32, #tpu.memory_space<hbm>>) target_semaphore(%arg9 : memref<!tpu.dma_semaphore, #tpu.memory_space<semaphore_mem>>)
    %dma_wait3A_82 = arith.constant 320 : i32
    %dma_wait3A_83 = tpu.memref_slice %arg5[%dma_wait3A_82] : memref<1600xi32, #tpu.memory_space<vmem>> -> memref<80xi32, #tpu.memory_space<vmem>>
    %dma_wait3A_84 = arith.constant 0 : i32
    %dma_wait3A_85 = arith.constant 0 : i32
    %dma_wait3A_86 = tpu.memref_slice %arg3[%dma_wait3A_84, %dma_wait3A_85] : memref<100000x128xf32, #tpu.memory_space<hbm>> -> memref<100000x128xf32, #tpu.memory_space<hbm>>
    tpu.wait_indirect_dma semaphore(%arg8 : memref<!tpu.dma_semaphore, #tpu.memory_space<semaphore_mem>>) src(%dma_wait3A_86 : memref<100000x128xf32, #tpu.memory_space<hbm>>) dst(%arg6 : memref<80x128xf32, #tpu.memory_space<vmem>>)
    %dma_wait3A_87 = arith.constant 0 : i32
    %dma_wait3A_88 = tpu.memref_slice %arg4[%add3A_77, %dma_wait3A_87] : memref<51200x128xf32, #tpu.memory_space<hbm>> -> memref<80x128xf32, #tpu.memory_space<hbm>>
    %dma_wait3A_89 = arith.constant 0 : i32
    %dma_wait3A_90 = tpu.memref_slice %arg4[%add3A_77, %dma_wait3A_89] : memref<51200x128xf32, #tpu.memory_space<hbm>> -> memref<80x128xf32, #tpu.memory_space<hbm>>
    tpu.wait_dma2 semaphore(%arg9 : memref<!tpu.dma_semaphore, #tpu.memory_space<semaphore_mem>>) src(%arg7 : memref<80x128xf32, #tpu.memory_space<vmem>>) dst(%dma_wait3A_90 : memref<80x128xf32, #tpu.memory_space<hbm>>)
    %dma_start3A_91 = arith.constant 400 : i32
    %dma_start3A_92 = tpu.memref_slice %arg5[%dma_start3A_91] : memref<1600xi32, #tpu.memory_space<vmem>> -> memref<80xi32, #tpu.memory_space<vmem>>
    %dma_start3A_93 = arith.constant 0 : i32
    %dma_start3A_94 = arith.constant 0 : i32
    %dma_start3A_95 = tpu.memref_slice %arg3[%dma_start3A_93, %dma_start3A_94] : memref<100000x128xf32, #tpu.memory_space<hbm>> -> memref<100000x128xf32, #tpu.memory_space<hbm>>
    tpu.enqueue_indirect_dma source(%dma_start3A_95 : memref<100000x128xf32, #tpu.memory_space<hbm>>) target(%arg7 : memref<80x128xf32, #tpu.memory_space<vmem>>) offsets(%dma_start3A_92 : memref<80xi32, #tpu.memory_space<vmem>>) semaphore(%arg8 : memref<!tpu.dma_semaphore, #tpu.memory_space<semaphore_mem>>)
    %add3A_96 = arith.constant 320 : i32
    %add3A_97 = arith.addi %mul3A_2, %add3A_96 : i32
    %dma_start3A_98 = arith.constant 0 : i32
    %dma_start3A_99 = tpu.memref_slice %arg4[%add3A_97, %dma_start3A_98] : memref<51200x128xf32, #tpu.memory_space<hbm>> -> memref<80x128xf32, #tpu.memory_space<hbm>>
    %dma_start3A_100 = arith.constant 0 : i32
    %dma_start3A_101 = tpu.memref_slice %arg4[%add3A_97, %dma_start3A_100] : memref<51200x128xf32, #tpu.memory_space<hbm>> -> memref<80x128xf32, #tpu.memory_space<hbm>>
    tpu.enqueue_dma source(%arg6 : memref<80x128xf32, #tpu.memory_space<vmem>>) target(%dma_start3A_101 : memref<80x128xf32, #tpu.memory_space<hbm>>) target_semaphore(%arg9 : memref<!tpu.dma_semaphore, #tpu.memory_space<semaphore_mem>>)
    %dma_wait3A_102 = arith.constant 400 : i32
    %dma_wait3A_103 = tpu.memref_slice %arg5[%dma_wait3A_102] : memref<1600xi32, #tpu.memory_space<vmem>> -> memref<80xi32, #tpu.memory_space<vmem>>
    %dma_wait3A_104 = arith.constant 0 : i32
    %dma_wait3A_105 = arith.constant 0 : i32
    %dma_wait3A_106 = tpu.memref_slice %arg3[%dma_wait3A_104, %dma_wait3A_105] : memref<100000x128xf32, #tpu.memory_space<hbm>> -> memref<100000x128xf32, #tpu.memory_space<hbm>>
    tpu.wait_indirect_dma semaphore(%arg8 : memref<!tpu.dma_semaphore, #tpu.memory_space<semaphore_mem>>) src(%dma_wait3A_106 : memref<100000x128xf32, #tpu.memory_space<hbm>>) dst(%arg7 : memref<80x128xf32, #tpu.memory_space<vmem>>)
    %dma_wait3A_107 = arith.constant 0 : i32
    %dma_wait3A_108 = tpu.memref_slice %arg4[%add3A_97, %dma_wait3A_107] : memref<51200x128xf32, #tpu.memory_space<hbm>> -> memref<80x128xf32, #tpu.memory_space<hbm>>
    %dma_wait3A_109 = arith.constant 0 : i32
    %dma_wait3A_110 = tpu.memref_slice %arg4[%add3A_97, %dma_wait3A_109] : memref<51200x128xf32, #tpu.memory_space<hbm>> -> memref<80x128xf32, #tpu.memory_space<hbm>>
    tpu.wait_dma2 semaphore(%arg9 : memref<!tpu.dma_semaphore, #tpu.memory_space<semaphore_mem>>) src(%arg6 : memref<80x128xf32, #tpu.memory_space<vmem>>) dst(%dma_wait3A_110 : memref<80x128xf32, #tpu.memory_space<hbm>>)
    %dma_start3A_111 = arith.constant 480 : i32
    %dma_start3A_112 = tpu.memref_slice %arg5[%dma_start3A_111] : memref<1600xi32, #tpu.memory_space<vmem>> -> memref<80xi32, #tpu.memory_space<vmem>>
    %dma_start3A_113 = arith.constant 0 : i32
    %dma_start3A_114 = arith.constant 0 : i32
    %dma_start3A_115 = tpu.memref_slice %arg3[%dma_start3A_113, %dma_start3A_114] : memref<100000x128xf32, #tpu.memory_space<hbm>> -> memref<100000x128xf32, #tpu.memory_space<hbm>>
    tpu.enqueue_indirect_dma source(%dma_start3A_115 : memref<100000x128xf32, #tpu.memory_space<hbm>>) target(%arg6 : memref<80x128xf32, #tpu.memory_space<vmem>>) offsets(%dma_start3A_112 : memref<80xi32, #tpu.memory_space<vmem>>) semaphore(%arg8 : memref<!tpu.dma_semaphore, #tpu.memory_space<semaphore_mem>>)
    %add3A_116 = arith.constant 400 : i32
    %add3A_117 = arith.addi %mul3A_2, %add3A_116 : i32
    %dma_start3A_118 = arith.constant 0 : i32
    %dma_start3A_119 = tpu.memref_slice %arg4[%add3A_117, %dma_start3A_118] : memref<51200x128xf32, #tpu.memory_space<hbm>> -> memref<80x128xf32, #tpu.memory_space<hbm>>
    %dma_start3A_120 = arith.constant 0 : i32
    %dma_start3A_121 = tpu.memref_slice %arg4[%add3A_117, %dma_start3A_120] : memref<51200x128xf32, #tpu.memory_space<hbm>> -> memref<80x128xf32, #tpu.memory_space<hbm>>
    tpu.enqueue_dma source(%arg7 : memref<80x128xf32, #tpu.memory_space<vmem>>) target(%dma_start3A_121 : memref<80x128xf32, #tpu.memory_space<hbm>>) target_semaphore(%arg9 : memref<!tpu.dma_semaphore, #tpu.memory_space<semaphore_mem>>)
    %dma_wait3A_122 = arith.constant 480 : i32
    %dma_wait3A_123 = tpu.memref_slice %arg5[%dma_wait3A_122] : memref<1600xi32, #tpu.memory_space<vmem>> -> memref<80xi32, #tpu.memory_space<vmem>>
    %dma_wait3A_124 = arith.constant 0 : i32
    %dma_wait3A_125 = arith.constant 0 : i32
    %dma_wait3A_126 = tpu.memref_slice %arg3[%dma_wait3A_124, %dma_wait3A_125] : memref<100000x128xf32, #tpu.memory_space<hbm>> -> memref<100000x128xf32, #tpu.memory_space<hbm>>
    tpu.wait_indirect_dma semaphore(%arg8 : memref<!tpu.dma_semaphore, #tpu.memory_space<semaphore_mem>>) src(%dma_wait3A_126 : memref<100000x128xf32, #tpu.memory_space<hbm>>) dst(%arg6 : memref<80x128xf32, #tpu.memory_space<vmem>>)
    %dma_wait3A_127 = arith.constant 0 : i32
    %dma_wait3A_128 = tpu.memref_slice %arg4[%add3A_117, %dma_wait3A_127] : memref<51200x128xf32, #tpu.memory_space<hbm>> -> memref<80x128xf32, #tpu.memory_space<hbm>>
    %dma_wait3A_129 = arith.constant 0 : i32
    %dma_wait3A_130 = tpu.memref_slice %arg4[%add3A_117, %dma_wait3A_129] : memref<51200x128xf32, #tpu.memory_space<hbm>> -> memref<80x128xf32, #tpu.memory_space<hbm>>
    tpu.wait_dma2 semaphore(%arg9 : memref<!tpu.dma_semaphore, #tpu.memory_space<semaphore_mem>>) src(%arg7 : memref<80x128xf32, #tpu.memory_space<vmem>>) dst(%dma_wait3A_130 : memref<80x128xf32, #tpu.memory_space<hbm>>)
    %dma_start3A_131 = arith.constant 560 : i32
    %dma_start3A_132 = tpu.memref_slice %arg5[%dma_start3A_131] : memref<1600xi32, #tpu.memory_space<vmem>> -> memref<80xi32, #tpu.memory_space<vmem>>
    %dma_start3A_133 = arith.constant 0 : i32
    %dma_start3A_134 = arith.constant 0 : i32
    %dma_start3A_135 = tpu.memref_slice %arg3[%dma_start3A_133, %dma_start3A_134] : memref<100000x128xf32, #tpu.memory_space<hbm>> -> memref<100000x128xf32, #tpu.memory_space<hbm>>
    tpu.enqueue_indirect_dma source(%dma_start3A_135 : memref<100000x128xf32, #tpu.memory_space<hbm>>) target(%arg7 : memref<80x128xf32, #tpu.memory_space<vmem>>) offsets(%dma_start3A_132 : memref<80xi32, #tpu.memory_space<vmem>>) semaphore(%arg8 : memref<!tpu.dma_semaphore, #tpu.memory_space<semaphore_mem>>)
    %add3A_136 = arith.constant 480 : i32
    %add3A_137 = arith.addi %mul3A_2, %add3A_136 : i32
    %dma_start3A_138 = arith.constant 0 : i32
    %dma_start3A_139 = tpu.memref_slice %arg4[%add3A_137, %dma_start3A_138] : memref<51200x128xf32, #tpu.memory_space<hbm>> -> memref<80x128xf32, #tpu.memory_space<hbm>>
    %dma_start3A_140 = arith.constant 0 : i32
    %dma_start3A_141 = tpu.memref_slice %arg4[%add3A_137, %dma_start3A_140] : memref<51200x128xf32, #tpu.memory_space<hbm>> -> memref<80x128xf32, #tpu.memory_space<hbm>>
    tpu.enqueue_dma source(%arg6 : memref<80x128xf32, #tpu.memory_space<vmem>>) target(%dma_start3A_141 : memref<80x128xf32, #tpu.memory_space<hbm>>) target_semaphore(%arg9 : memref<!tpu.dma_semaphore, #tpu.memory_space<semaphore_mem>>)
    %dma_wait3A_142 = arith.constant 560 : i32
    %dma_wait3A_143 = tpu.memref_slice %arg5[%dma_wait3A_142] : memref<1600xi32, #tpu.memory_space<vmem>> -> memref<80xi32, #tpu.memory_space<vmem>>
    %dma_wait3A_144 = arith.constant 0 : i32
    %dma_wait3A_145 = arith.constant 0 : i32
    %dma_wait3A_146 = tpu.memref_slice %arg3[%dma_wait3A_144, %dma_wait3A_145] : memref<100000x128xf32, #tpu.memory_space<hbm>> -> memref<100000x128xf32, #tpu.memory_space<hbm>>
    tpu.wait_indirect_dma semaphore(%arg8 : memref<!tpu.dma_semaphore, #tpu.memory_space<semaphore_mem>>) src(%dma_wait3A_146 : memref<100000x128xf32, #tpu.memory_space<hbm>>) dst(%arg7 : memref<80x128xf32, #tpu.memory_space<vmem>>)
    %dma_wait3A_147 = arith.constant 0 : i32
    %dma_wait3A_148 = tpu.memref_slice %arg4[%add3A_137, %dma_wait3A_147] : memref<51200x128xf32, #tpu.memory_space<hbm>> -> memref<80x128xf32, #tpu.memory_space<hbm>>
    %dma_wait3A_149 = arith.constant 0 : i32
    %dma_wait3A_150 = tpu.memref_slice %arg4[%add3A_137, %dma_wait3A_149] : memref<51200x128xf32, #tpu.memory_space<hbm>> -> memref<80x128xf32, #tpu.memory_space<hbm>>
    tpu.wait_dma2 semaphore(%arg9 : memref<!tpu.dma_semaphore, #tpu.memory_space<semaphore_mem>>) src(%arg6 : memref<80x128xf32, #tpu.memory_space<vmem>>) dst(%dma_wait3A_150 : memref<80x128xf32, #tpu.memory_space<hbm>>)
    %dma_start3A_151 = arith.constant 640 : i32
    %dma_start3A_152 = tpu.memref_slice %arg5[%dma_start3A_151] : memref<1600xi32, #tpu.memory_space<vmem>> -> memref<80xi32, #tpu.memory_space<vmem>>
    %dma_start3A_153 = arith.constant 0 : i32
    %dma_start3A_154 = arith.constant 0 : i32
    %dma_start3A_155 = tpu.memref_slice %arg3[%dma_start3A_153, %dma_start3A_154] : memref<100000x128xf32, #tpu.memory_space<hbm>> -> memref<100000x128xf32, #tpu.memory_space<hbm>>
    tpu.enqueue_indirect_dma source(%dma_start3A_155 : memref<100000x128xf32, #tpu.memory_space<hbm>>) target(%arg6 : memref<80x128xf32, #tpu.memory_space<vmem>>) offsets(%dma_start3A_152 : memref<80xi32, #tpu.memory_space<vmem>>) semaphore(%arg8 : memref<!tpu.dma_semaphore, #tpu.memory_space<semaphore_mem>>)
    %add3A_156 = arith.constant 560 : i32
    %add3A_157 = arith.addi %mul3A_2, %add3A_156 : i32
    %dma_start3A_158 = arith.constant 0 : i32
    %dma_start3A_159 = tpu.memref_slice %arg4[%add3A_157, %dma_start3A_158] : memref<51200x128xf32, #tpu.memory_space<hbm>> -> memref<80x128xf32, #tpu.memory_space<hbm>>
    %dma_start3A_160 = arith.constant 0 : i32
    %dma_start3A_161 = tpu.memref_slice %arg4[%add3A_157, %dma_start3A_160] : memref<51200x128xf32, #tpu.memory_space<hbm>> -> memref<80x128xf32, #tpu.memory_space<hbm>>
    tpu.enqueue_dma source(%arg7 : memref<80x128xf32, #tpu.memory_space<vmem>>) target(%dma_start3A_161 : memref<80x128xf32, #tpu.memory_space<hbm>>) target_semaphore(%arg9 : memref<!tpu.dma_semaphore, #tpu.memory_space<semaphore_mem>>)
    %dma_wait3A_162 = arith.constant 640 : i32
    %dma_wait3A_163 = tpu.memref_slice %arg5[%dma_wait3A_162] : memref<1600xi32, #tpu.memory_space<vmem>> -> memref<80xi32, #tpu.memory_space<vmem>>
    %dma_wait3A_164 = arith.constant 0 : i32
    %dma_wait3A_165 = arith.constant 0 : i32
    %dma_wait3A_166 = tpu.memref_slice %arg3[%dma_wait3A_164, %dma_wait3A_165] : memref<100000x128xf32, #tpu.memory_space<hbm>> -> memref<100000x128xf32, #tpu.memory_space<hbm>>
    tpu.wait_indirect_dma semaphore(%arg8 : memref<!tpu.dma_semaphore, #tpu.memory_space<semaphore_mem>>) src(%dma_wait3A_166 : memref<100000x128xf32, #tpu.memory_space<hbm>>) dst(%arg6 : memref<80x128xf32, #tpu.memory_space<vmem>>)
    %dma_wait3A_167 = arith.constant 0 : i32
    %dma_wait3A_168 = tpu.memref_slice %arg4[%add3A_157, %dma_wait3A_167] : memref<51200x128xf32, #tpu.memory_space<hbm>> -> memref<80x128xf32, #tpu.memory_space<hbm>>
    %dma_wait3A_169 = arith.constant 0 : i32
    %dma_wait3A_170 = tpu.memref_slice %arg4[%add3A_157, %dma_wait3A_169] : memref<51200x128xf32, #tpu.memory_space<hbm>> -> memref<80x128xf32, #tpu.memory_space<hbm>>
    tpu.wait_dma2 semaphore(%arg9 : memref<!tpu.dma_semaphore, #tpu.memory_space<semaphore_mem>>) src(%arg7 : memref<80x128xf32, #tpu.memory_space<vmem>>) dst(%dma_wait3A_170 : memref<80x128xf32, #tpu.memory_space<hbm>>)
    %dma_start3A_171 = arith.constant 720 : i32
    %dma_start3A_172 = tpu.memref_slice %arg5[%dma_start3A_171] : memref<1600xi32, #tpu.memory_space<vmem>> -> memref<80xi32, #tpu.memory_space<vmem>>
    %dma_start3A_173 = arith.constant 0 : i32
    %dma_start3A_174 = arith.constant 0 : i32
    %dma_start3A_175 = tpu.memref_slice %arg3[%dma_start3A_173, %dma_start3A_174] : memref<100000x128xf32, #tpu.memory_space<hbm>> -> memref<100000x128xf32, #tpu.memory_space<hbm>>
    tpu.enqueue_indirect_dma source(%dma_start3A_175 : memref<100000x128xf32, #tpu.memory_space<hbm>>) target(%arg7 : memref<80x128xf32, #tpu.memory_space<vmem>>) offsets(%dma_start3A_172 : memref<80xi32, #tpu.memory_space<vmem>>) semaphore(%arg8 : memref<!tpu.dma_semaphore, #tpu.memory_space<semaphore_mem>>)
    %add3A_176 = arith.constant 640 : i32
    %add3A_177 = arith.addi %mul3A_2, %add3A_176 : i32
    %dma_start3A_178 = arith.constant 0 : i32
    %dma_start3A_179 = tpu.memref_slice %arg4[%add3A_177, %dma_start3A_178] : memref<51200x128xf32, #tpu.memory_space<hbm>> -> memref<80x128xf32, #tpu.memory_space<hbm>>
    %dma_start3A_180 = arith.constant 0 : i32
    %dma_start3A_181 = tpu.memref_slice %arg4[%add3A_177, %dma_start3A_180] : memref<51200x128xf32, #tpu.memory_space<hbm>> -> memref<80x128xf32, #tpu.memory_space<hbm>>
    tpu.enqueue_dma source(%arg6 : memref<80x128xf32, #tpu.memory_space<vmem>>) target(%dma_start3A_181 : memref<80x128xf32, #tpu.memory_space<hbm>>) target_semaphore(%arg9 : memref<!tpu.dma_semaphore, #tpu.memory_space<semaphore_mem>>)
    %dma_wait3A_182 = arith.constant 720 : i32
    %dma_wait3A_183 = tpu.memref_slice %arg5[%dma_wait3A_182] : memref<1600xi32, #tpu.memory_space<vmem>> -> memref<80xi32, #tpu.memory_space<vmem>>
    %dma_wait3A_184 = arith.constant 0 : i32
    %dma_wait3A_185 = arith.constant 0 : i32
    %dma_wait3A_186 = tpu.memref_slice %arg3[%dma_wait3A_184, %dma_wait3A_185] : memref<100000x128xf32, #tpu.memory_space<hbm>> -> memref<100000x128xf32, #tpu.memory_space<hbm>>
    tpu.wait_indirect_dma semaphore(%arg8 : memref<!tpu.dma_semaphore, #tpu.memory_space<semaphore_mem>>) src(%dma_wait3A_186 : memref<100000x128xf32, #tpu.memory_space<hbm>>) dst(%arg7 : memref<80x128xf32, #tpu.memory_space<vmem>>)
    %dma_wait3A_187 = arith.constant 0 : i32
    %dma_wait3A_188 = tpu.memref_slice %arg4[%add3A_177, %dma_wait3A_187] : memref<51200x128xf32, #tpu.memory_space<hbm>> -> memref<80x128xf32, #tpu.memory_space<hbm>>
    %dma_wait3A_189 = arith.constant 0 : i32
    %dma_wait3A_190 = tpu.memref_slice %arg4[%add3A_177, %dma_wait3A_189] : memref<51200x128xf32, #tpu.memory_space<hbm>> -> memref<80x128xf32, #tpu.memory_space<hbm>>
    tpu.wait_dma2 semaphore(%arg9 : memref<!tpu.dma_semaphore, #tpu.memory_space<semaphore_mem>>) src(%arg6 : memref<80x128xf32, #tpu.memory_space<vmem>>) dst(%dma_wait3A_190 : memref<80x128xf32, #tpu.memory_space<hbm>>)
    %dma_start3A_191 = arith.constant 800 : i32
    %dma_start3A_192 = tpu.memref_slice %arg5[%dma_start3A_191] : memref<1600xi32, #tpu.memory_space<vmem>> -> memref<80xi32, #tpu.memory_space<vmem>>
    %dma_start3A_193 = arith.constant 0 : i32
    %dma_start3A_194 = arith.constant 0 : i32
    %dma_start3A_195 = tpu.memref_slice %arg3[%dma_start3A_193, %dma_start3A_194] : memref<100000x128xf32, #tpu.memory_space<hbm>> -> memref<100000x128xf32, #tpu.memory_space<hbm>>
    tpu.enqueue_indirect_dma source(%dma_start3A_195 : memref<100000x128xf32, #tpu.memory_space<hbm>>) target(%arg6 : memref<80x128xf32, #tpu.memory_space<vmem>>) offsets(%dma_start3A_192 : memref<80xi32, #tpu.memory_space<vmem>>) semaphore(%arg8 : memref<!tpu.dma_semaphore, #tpu.memory_space<semaphore_mem>>)
    %add3A_196 = arith.constant 720 : i32
    %add3A_197 = arith.addi %mul3A_2, %add3A_196 : i32
    %dma_start3A_198 = arith.constant 0 : i32
    %dma_start3A_199 = tpu.memref_slice %arg4[%add3A_197, %dma_start3A_198] : memref<51200x128xf32, #tpu.memory_space<hbm>> -> memref<80x128xf32, #tpu.memory_space<hbm>>
    %dma_start3A_200 = arith.constant 0 : i32
    %dma_start3A_201 = tpu.memref_slice %arg4[%add3A_197, %dma_start3A_200] : memref<51200x128xf32, #tpu.memory_space<hbm>> -> memref<80x128xf32, #tpu.memory_space<hbm>>
    tpu.enqueue_dma source(%arg7 : memref<80x128xf32, #tpu.memory_space<vmem>>) target(%dma_start3A_201 : memref<80x128xf32, #tpu.memory_space<hbm>>) target_semaphore(%arg9 : memref<!tpu.dma_semaphore, #tpu.memory_space<semaphore_mem>>)
    %dma_wait3A_202 = arith.constant 800 : i32
    %dma_wait3A_203 = tpu.memref_slice %arg5[%dma_wait3A_202] : memref<1600xi32, #tpu.memory_space<vmem>> -> memref<80xi32, #tpu.memory_space<vmem>>
    %dma_wait3A_204 = arith.constant 0 : i32
    %dma_wait3A_205 = arith.constant 0 : i32
    %dma_wait3A_206 = tpu.memref_slice %arg3[%dma_wait3A_204, %dma_wait3A_205] : memref<100000x128xf32, #tpu.memory_space<hbm>> -> memref<100000x128xf32, #tpu.memory_space<hbm>>
    tpu.wait_indirect_dma semaphore(%arg8 : memref<!tpu.dma_semaphore, #tpu.memory_space<semaphore_mem>>) src(%dma_wait3A_206 : memref<100000x128xf32, #tpu.memory_space<hbm>>) dst(%arg6 : memref<80x128xf32, #tpu.memory_space<vmem>>)
    %dma_wait3A_207 = arith.constant 0 : i32
    %dma_wait3A_208 = tpu.memref_slice %arg4[%add3A_197, %dma_wait3A_207] : memref<51200x128xf32, #tpu.memory_space<hbm>> -> memref<80x128xf32, #tpu.memory_space<hbm>>
    %dma_wait3A_209 = arith.constant 0 : i32
    %dma_wait3A_210 = tpu.memref_slice %arg4[%add3A_197, %dma_wait3A_209] : memref<51200x128xf32, #tpu.memory_space<hbm>> -> memref<80x128xf32, #tpu.memory_space<hbm>>
    tpu.wait_dma2 semaphore(%arg9 : memref<!tpu.dma_semaphore, #tpu.memory_space<semaphore_mem>>) src(%arg7 : memref<80x128xf32, #tpu.memory_space<vmem>>) dst(%dma_wait3A_210 : memref<80x128xf32, #tpu.memory_space<hbm>>)
    %dma_start3A_211 = arith.constant 880 : i32
    %dma_start3A_212 = tpu.memref_slice %arg5[%dma_start3A_211] : memref<1600xi32, #tpu.memory_space<vmem>> -> memref<80xi32, #tpu.memory_space<vmem>>
    %dma_start3A_213 = arith.constant 0 : i32
    %dma_start3A_214 = arith.constant 0 : i32
    %dma_start3A_215 = tpu.memref_slice %arg3[%dma_start3A_213, %dma_start3A_214] : memref<100000x128xf32, #tpu.memory_space<hbm>> -> memref<100000x128xf32, #tpu.memory_space<hbm>>
    tpu.enqueue_indirect_dma source(%dma_start3A_215 : memref<100000x128xf32, #tpu.memory_space<hbm>>) target(%arg7 : memref<80x128xf32, #tpu.memory_space<vmem>>) offsets(%dma_start3A_212 : memref<80xi32, #tpu.memory_space<vmem>>) semaphore(%arg8 : memref<!tpu.dma_semaphore, #tpu.memory_space<semaphore_mem>>)
    %add3A_216 = arith.constant 800 : i32
    %add3A_217 = arith.addi %mul3A_2, %add3A_216 : i32
    %dma_start3A_218 = arith.constant 0 : i32
    %dma_start3A_219 = tpu.memref_slice %arg4[%add3A_217, %dma_start3A_218] : memref<51200x128xf32, #tpu.memory_space<hbm>> -> memref<80x128xf32, #tpu.memory_space<hbm>>
    %dma_start3A_220 = arith.constant 0 : i32
    %dma_start3A_221 = tpu.memref_slice %arg4[%add3A_217, %dma_start3A_220] : memref<51200x128xf32, #tpu.memory_space<hbm>> -> memref<80x128xf32, #tpu.memory_space<hbm>>
    tpu.enqueue_dma source(%arg6 : memref<80x128xf32, #tpu.memory_space<vmem>>) target(%dma_start3A_221 : memref<80x128xf32, #tpu.memory_space<hbm>>) target_semaphore(%arg9 : memref<!tpu.dma_semaphore, #tpu.memory_space<semaphore_mem>>)
    %dma_wait3A_222 = arith.constant 880 : i32
    %dma_wait3A_223 = tpu.memref_slice %arg5[%dma_wait3A_222] : memref<1600xi32, #tpu.memory_space<vmem>> -> memref<80xi32, #tpu.memory_space<vmem>>
    %dma_wait3A_224 = arith.constant 0 : i32
    %dma_wait3A_225 = arith.constant 0 : i32
    %dma_wait3A_226 = tpu.memref_slice %arg3[%dma_wait3A_224, %dma_wait3A_225] : memref<100000x128xf32, #tpu.memory_space<hbm>> -> memref<100000x128xf32, #tpu.memory_space<hbm>>
    tpu.wait_indirect_dma semaphore(%arg8 : memref<!tpu.dma_semaphore, #tpu.memory_space<semaphore_mem>>) src(%dma_wait3A_226 : memref<100000x128xf32, #tpu.memory_space<hbm>>) dst(%arg7 : memref<80x128xf32, #tpu.memory_space<vmem>>)
    %dma_wait3A_227 = arith.constant 0 : i32
    %dma_wait3A_228 = tpu.memref_slice %arg4[%add3A_217, %dma_wait3A_227] : memref<51200x128xf32, #tpu.memory_space<hbm>> -> memref<80x128xf32, #tpu.memory_space<hbm>>
    %dma_wait3A_229 = arith.constant 0 : i32
    %dma_wait3A_230 = tpu.memref_slice %arg4[%add3A_217, %dma_wait3A_229] : memref<51200x128xf32, #tpu.memory_space<hbm>> -> memref<80x128xf32, #tpu.memory_space<hbm>>
    tpu.wait_dma2 semaphore(%arg9 : memref<!tpu.dma_semaphore, #tpu.memory_space<semaphore_mem>>) src(%arg6 : memref<80x128xf32, #tpu.memory_space<vmem>>) dst(%dma_wait3A_230 : memref<80x128xf32, #tpu.memory_space<hbm>>)
    %dma_start3A_231 = arith.constant 960 : i32
    %dma_start3A_232 = tpu.memref_slice %arg5[%dma_start3A_231] : memref<1600xi32, #tpu.memory_space<vmem>> -> memref<80xi32, #tpu.memory_space<vmem>>
    %dma_start3A_233 = arith.constant 0 : i32
    %dma_start3A_234 = arith.constant 0 : i32
    %dma_start3A_235 = tpu.memref_slice %arg3[%dma_start3A_233, %dma_start3A_234] : memref<100000x128xf32, #tpu.memory_space<hbm>> -> memref<100000x128xf32, #tpu.memory_space<hbm>>
    tpu.enqueue_indirect_dma source(%dma_start3A_235 : memref<100000x128xf32, #tpu.memory_space<hbm>>) target(%arg6 : memref<80x128xf32, #tpu.memory_space<vmem>>) offsets(%dma_start3A_232 : memref<80xi32, #tpu.memory_space<vmem>>) semaphore(%arg8 : memref<!tpu.dma_semaphore, #tpu.memory_space<semaphore_mem>>)
    %add3A_236 = arith.constant 880 : i32
    %add3A_237 = arith.addi %mul3A_2, %add3A_236 : i32
    %dma_start3A_238 = arith.constant 0 : i32
    %dma_start3A_239 = tpu.memref_slice %arg4[%add3A_237, %dma_start3A_238] : memref<51200x128xf32, #tpu.memory_space<hbm>> -> memref<80x128xf32, #tpu.memory_space<hbm>>
    %dma_start3A_240 = arith.constant 0 : i32
    %dma_start3A_241 = tpu.memref_slice %arg4[%add3A_237, %dma_start3A_240] : memref<51200x128xf32, #tpu.memory_space<hbm>> -> memref<80x128xf32, #tpu.memory_space<hbm>>
    tpu.enqueue_dma source(%arg7 : memref<80x128xf32, #tpu.memory_space<vmem>>) target(%dma_start3A_241 : memref<80x128xf32, #tpu.memory_space<hbm>>) target_semaphore(%arg9 : memref<!tpu.dma_semaphore, #tpu.memory_space<semaphore_mem>>)
    %dma_wait3A_242 = arith.constant 960 : i32
    %dma_wait3A_243 = tpu.memref_slice %arg5[%dma_wait3A_242] : memref<1600xi32, #tpu.memory_space<vmem>> -> memref<80xi32, #tpu.memory_space<vmem>>
    %dma_wait3A_244 = arith.constant 0 : i32
    %dma_wait3A_245 = arith.constant 0 : i32
    %dma_wait3A_246 = tpu.memref_slice %arg3[%dma_wait3A_244, %dma_wait3A_245] : memref<100000x128xf32, #tpu.memory_space<hbm>> -> memref<100000x128xf32, #tpu.memory_space<hbm>>
    tpu.wait_indirect_dma semaphore(%arg8 : memref<!tpu.dma_semaphore, #tpu.memory_space<semaphore_mem>>) src(%dma_wait3A_246 : memref<100000x128xf32, #tpu.memory_space<hbm>>) dst(%arg6 : memref<80x128xf32, #tpu.memory_space<vmem>>)
    %dma_wait3A_247 = arith.constant 0 : i32
    %dma_wait3A_248 = tpu.memref_slice %arg4[%add3A_237, %dma_wait3A_247] : memref<51200x128xf32, #tpu.memory_space<hbm>> -> memref<80x128xf32, #tpu.memory_space<hbm>>
    %dma_wait3A_249 = arith.constant 0 : i32
    %dma_wait3A_250 = tpu.memref_slice %arg4[%add3A_237, %dma_wait3A_249] : memref<51200x128xf32, #tpu.memory_space<hbm>> -> memref<80x128xf32, #tpu.memory_space<hbm>>
    tpu.wait_dma2 semaphore(%arg9 : memref<!tpu.dma_semaphore, #tpu.memory_space<semaphore_mem>>) src(%arg7 : memref<80x128xf32, #tpu.memory_space<vmem>>) dst(%dma_wait3A_250 : memref<80x128xf32, #tpu.memory_space<hbm>>)
    %dma_start3A_251 = arith.constant 1040 : i32
    %dma_start3A_252 = tpu.memref_slice %arg5[%dma_start3A_251] : memref<1600xi32, #tpu.memory_space<vmem>> -> memref<80xi32, #tpu.memory_space<vmem>>
    %dma_start3A_253 = arith.constant 0 : i32
    %dma_start3A_254 = arith.constant 0 : i32
    %dma_start3A_255 = tpu.memref_slice %arg3[%dma_start3A_253, %dma_start3A_254] : memref<100000x128xf32, #tpu.memory_space<hbm>> -> memref<100000x128xf32, #tpu.memory_space<hbm>>
    tpu.enqueue_indirect_dma source(%dma_start3A_255 : memref<100000x128xf32, #tpu.memory_space<hbm>>) target(%arg7 : memref<80x128xf32, #tpu.memory_space<vmem>>) offsets(%dma_start3A_252 : memref<80xi32, #tpu.memory_space<vmem>>) semaphore(%arg8 : memref<!tpu.dma_semaphore, #tpu.memory_space<semaphore_mem>>)
    %add3A_256 = arith.constant 960 : i32
    %add3A_257 = arith.addi %mul3A_2, %add3A_256 : i32
    %dma_start3A_258 = arith.constant 0 : i32
    %dma_start3A_259 = tpu.memref_slice %arg4[%add3A_257, %dma_start3A_258] : memref<51200x128xf32, #tpu.memory_space<hbm>> -> memref<80x128xf32, #tpu.memory_space<hbm>>
    %dma_start3A_260 = arith.constant 0 : i32
    %dma_start3A_261 = tpu.memref_slice %arg4[%add3A_257, %dma_start3A_260] : memref<51200x128xf32, #tpu.memory_space<hbm>> -> memref<80x128xf32, #tpu.memory_space<hbm>>
    tpu.enqueue_dma source(%arg6 : memref<80x128xf32, #tpu.memory_space<vmem>>) target(%dma_start3A_261 : memref<80x128xf32, #tpu.memory_space<hbm>>) target_semaphore(%arg9 : memref<!tpu.dma_semaphore, #tpu.memory_space<semaphore_mem>>)
    %dma_wait3A_262 = arith.constant 1040 : i32
    %dma_wait3A_263 = tpu.memref_slice %arg5[%dma_wait3A_262] : memref<1600xi32, #tpu.memory_space<vmem>> -> memref<80xi32, #tpu.memory_space<vmem>>
    %dma_wait3A_264 = arith.constant 0 : i32
    %dma_wait3A_265 = arith.constant 0 : i32
    %dma_wait3A_266 = tpu.memref_slice %arg3[%dma_wait3A_264, %dma_wait3A_265] : memref<100000x128xf32, #tpu.memory_space<hbm>> -> memref<100000x128xf32, #tpu.memory_space<hbm>>
    tpu.wait_indirect_dma semaphore(%arg8 : memref<!tpu.dma_semaphore, #tpu.memory_space<semaphore_mem>>) src(%dma_wait3A_266 : memref<100000x128xf32, #tpu.memory_space<hbm>>) dst(%arg7 : memref<80x128xf32, #tpu.memory_space<vmem>>)
    %dma_wait3A_267 = arith.constant 0 : i32
    %dma_wait3A_268 = tpu.memref_slice %arg4[%add3A_257, %dma_wait3A_267] : memref<51200x128xf32, #tpu.memory_space<hbm>> -> memref<80x128xf32, #tpu.memory_space<hbm>>
    %dma_wait3A_269 = arith.constant 0 : i32
    %dma_wait3A_270 = tpu.memref_slice %arg4[%add3A_257, %dma_wait3A_269] : memref<51200x128xf32, #tpu.memory_space<hbm>> -> memref<80x128xf32, #tpu.memory_space<hbm>>
    tpu.wait_dma2 semaphore(%arg9 : memref<!tpu.dma_semaphore, #tpu.memory_space<semaphore_mem>>) src(%arg6 : memref<80x128xf32, #tpu.memory_space<vmem>>) dst(%dma_wait3A_270 : memref<80x128xf32, #tpu.memory_space<hbm>>)
    %dma_start3A_271 = arith.constant 1120 : i32
    %dma_start3A_272 = tpu.memref_slice %arg5[%dma_start3A_271] : memref<1600xi32, #tpu.memory_space<vmem>> -> memref<80xi32, #tpu.memory_space<vmem>>
    %dma_start3A_273 = arith.constant 0 : i32
    %dma_start3A_274 = arith.constant 0 : i32
    %dma_start3A_275 = tpu.memref_slice %arg3[%dma_start3A_273, %dma_start3A_274] : memref<100000x128xf32, #tpu.memory_space<hbm>> -> memref<100000x128xf32, #tpu.memory_space<hbm>>
    tpu.enqueue_indirect_dma source(%dma_start3A_275 : memref<100000x128xf32, #tpu.memory_space<hbm>>) target(%arg6 : memref<80x128xf32, #tpu.memory_space<vmem>>) offsets(%dma_start3A_272 : memref<80xi32, #tpu.memory_space<vmem>>) semaphore(%arg8 : memref<!tpu.dma_semaphore, #tpu.memory_space<semaphore_mem>>)
    %add3A_276 = arith.constant 1040 : i32
    %add3A_277 = arith.addi %mul3A_2, %add3A_276 : i32
    %dma_start3A_278 = arith.constant 0 : i32
    %dma_start3A_279 = tpu.memref_slice %arg4[%add3A_277, %dma_start3A_278] : memref<51200x128xf32, #tpu.memory_space<hbm>> -> memref<80x128xf32, #tpu.memory_space<hbm>>
    %dma_start3A_280 = arith.constant 0 : i32
    %dma_start3A_281 = tpu.memref_slice %arg4[%add3A_277, %dma_start3A_280] : memref<51200x128xf32, #tpu.memory_space<hbm>> -> memref<80x128xf32, #tpu.memory_space<hbm>>
    tpu.enqueue_dma source(%arg7 : memref<80x128xf32, #tpu.memory_space<vmem>>) target(%dma_start3A_281 : memref<80x128xf32, #tpu.memory_space<hbm>>) target_semaphore(%arg9 : memref<!tpu.dma_semaphore, #tpu.memory_space<semaphore_mem>>)
    %dma_wait3A_282 = arith.constant 1120 : i32
    %dma_wait3A_283 = tpu.memref_slice %arg5[%dma_wait3A_282] : memref<1600xi32, #tpu.memory_space<vmem>> -> memref<80xi32, #tpu.memory_space<vmem>>
    %dma_wait3A_284 = arith.constant 0 : i32
    %dma_wait3A_285 = arith.constant 0 : i32
    %dma_wait3A_286 = tpu.memref_slice %arg3[%dma_wait3A_284, %dma_wait3A_285] : memref<100000x128xf32, #tpu.memory_space<hbm>> -> memref<100000x128xf32, #tpu.memory_space<hbm>>
    tpu.wait_indirect_dma semaphore(%arg8 : memref<!tpu.dma_semaphore, #tpu.memory_space<semaphore_mem>>) src(%dma_wait3A_286 : memref<100000x128xf32, #tpu.memory_space<hbm>>) dst(%arg6 : memref<80x128xf32, #tpu.memory_space<vmem>>)
    %dma_wait3A_287 = arith.constant 0 : i32
    %dma_wait3A_288 = tpu.memref_slice %arg4[%add3A_277, %dma_wait3A_287] : memref<51200x128xf32, #tpu.memory_space<hbm>> -> memref<80x128xf32, #tpu.memory_space<hbm>>
    %dma_wait3A_289 = arith.constant 0 : i32
    %dma_wait3A_290 = tpu.memref_slice %arg4[%add3A_277, %dma_wait3A_289] : memref<51200x128xf32, #tpu.memory_space<hbm>> -> memref<80x128xf32, #tpu.memory_space<hbm>>
    tpu.wait_dma2 semaphore(%arg9 : memref<!tpu.dma_semaphore, #tpu.memory_space<semaphore_mem>>) src(%arg7 : memref<80x128xf32, #tpu.memory_space<vmem>>) dst(%dma_wait3A_290 : memref<80x128xf32, #tpu.memory_space<hbm>>)
    %dma_start3A_291 = arith.constant 1200 : i32
    %dma_start3A_292 = tpu.memref_slice %arg5[%dma_start3A_291] : memref<1600xi32, #tpu.memory_space<vmem>> -> memref<80xi32, #tpu.memory_space<vmem>>
    %dma_start3A_293 = arith.constant 0 : i32
    %dma_start3A_294 = arith.constant 0 : i32
    %dma_start3A_295 = tpu.memref_slice %arg3[%dma_start3A_293, %dma_start3A_294] : memref<100000x128xf32, #tpu.memory_space<hbm>> -> memref<100000x128xf32, #tpu.memory_space<hbm>>
    tpu.enqueue_indirect_dma source(%dma_start3A_295 : memref<100000x128xf32, #tpu.memory_space<hbm>>) target(%arg7 : memref<80x128xf32, #tpu.memory_space<vmem>>) offsets(%dma_start3A_292 : memref<80xi32, #tpu.memory_space<vmem>>) semaphore(%arg8 : memref<!tpu.dma_semaphore, #tpu.memory_space<semaphore_mem>>)
    %add3A_296 = arith.constant 1120 : i32
    %add3A_297 = arith.addi %mul3A_2, %add3A_296 : i32
    %dma_start3A_298 = arith.constant 0 : i32
    %dma_start3A_299 = tpu.memref_slice %arg4[%add3A_297, %dma_start3A_298] : memref<51200x128xf32, #tpu.memory_space<hbm>> -> memref<80x128xf32, #tpu.memory_space<hbm>>
    %dma_start3A_300 = arith.constant 0 : i32
    %dma_start3A_301 = tpu.memref_slice %arg4[%add3A_297, %dma_start3A_300] : memref<51200x128xf32, #tpu.memory_space<hbm>> -> memref<80x128xf32, #tpu.memory_space<hbm>>
    tpu.enqueue_dma source(%arg6 : memref<80x128xf32, #tpu.memory_space<vmem>>) target(%dma_start3A_301 : memref<80x128xf32, #tpu.memory_space<hbm>>) target_semaphore(%arg9 : memref<!tpu.dma_semaphore, #tpu.memory_space<semaphore_mem>>)
    %dma_wait3A_302 = arith.constant 1200 : i32
    %dma_wait3A_303 = tpu.memref_slice %arg5[%dma_wait3A_302] : memref<1600xi32, #tpu.memory_space<vmem>> -> memref<80xi32, #tpu.memory_space<vmem>>
    %dma_wait3A_304 = arith.constant 0 : i32
    %dma_wait3A_305 = arith.constant 0 : i32
    %dma_wait3A_306 = tpu.memref_slice %arg3[%dma_wait3A_304, %dma_wait3A_305] : memref<100000x128xf32, #tpu.memory_space<hbm>> -> memref<100000x128xf32, #tpu.memory_space<hbm>>
    tpu.wait_indirect_dma semaphore(%arg8 : memref<!tpu.dma_semaphore, #tpu.memory_space<semaphore_mem>>) src(%dma_wait3A_306 : memref<100000x128xf32, #tpu.memory_space<hbm>>) dst(%arg7 : memref<80x128xf32, #tpu.memory_space<vmem>>)
    %dma_wait3A_307 = arith.constant 0 : i32
    %dma_wait3A_308 = tpu.memref_slice %arg4[%add3A_297, %dma_wait3A_307] : memref<51200x128xf32, #tpu.memory_space<hbm>> -> memref<80x128xf32, #tpu.memory_space<hbm>>
    %dma_wait3A_309 = arith.constant 0 : i32
    %dma_wait3A_310 = tpu.memref_slice %arg4[%add3A_297, %dma_wait3A_309] : memref<51200x128xf32, #tpu.memory_space<hbm>> -> memref<80x128xf32, #tpu.memory_space<hbm>>
    tpu.wait_dma2 semaphore(%arg9 : memref<!tpu.dma_semaphore, #tpu.memory_space<semaphore_mem>>) src(%arg6 : memref<80x128xf32, #tpu.memory_space<vmem>>) dst(%dma_wait3A_310 : memref<80x128xf32, #tpu.memory_space<hbm>>)
    %dma_start3A_311 = arith.constant 1280 : i32
    %dma_start3A_312 = tpu.memref_slice %arg5[%dma_start3A_311] : memref<1600xi32, #tpu.memory_space<vmem>> -> memref<80xi32, #tpu.memory_space<vmem>>
    %dma_start3A_313 = arith.constant 0 : i32
    %dma_start3A_314 = arith.constant 0 : i32
    %dma_start3A_315 = tpu.memref_slice %arg3[%dma_start3A_313, %dma_start3A_314] : memref<100000x128xf32, #tpu.memory_space<hbm>> -> memref<100000x128xf32, #tpu.memory_space<hbm>>
    tpu.enqueue_indirect_dma source(%dma_start3A_315 : memref<100000x128xf32, #tpu.memory_space<hbm>>) target(%arg6 : memref<80x128xf32, #tpu.memory_space<vmem>>) offsets(%dma_start3A_312 : memref<80xi32, #tpu.memory_space<vmem>>) semaphore(%arg8 : memref<!tpu.dma_semaphore, #tpu.memory_space<semaphore_mem>>)
    %add3A_316 = arith.constant 1200 : i32
    %add3A_317 = arith.addi %mul3A_2, %add3A_316 : i32
    %dma_start3A_318 = arith.constant 0 : i32
    %dma_start3A_319 = tpu.memref_slice %arg4[%add3A_317, %dma_start3A_318] : memref<51200x128xf32, #tpu.memory_space<hbm>> -> memref<80x128xf32, #tpu.memory_space<hbm>>
    %dma_start3A_320 = arith.constant 0 : i32
    %dma_start3A_321 = tpu.memref_slice %arg4[%add3A_317, %dma_start3A_320] : memref<51200x128xf32, #tpu.memory_space<hbm>> -> memref<80x128xf32, #tpu.memory_space<hbm>>
    tpu.enqueue_dma source(%arg7 : memref<80x128xf32, #tpu.memory_space<vmem>>) target(%dma_start3A_321 : memref<80x128xf32, #tpu.memory_space<hbm>>) target_semaphore(%arg9 : memref<!tpu.dma_semaphore, #tpu.memory_space<semaphore_mem>>)
    %dma_wait3A_322 = arith.constant 1280 : i32
    %dma_wait3A_323 = tpu.memref_slice %arg5[%dma_wait3A_322] : memref<1600xi32, #tpu.memory_space<vmem>> -> memref<80xi32, #tpu.memory_space<vmem>>
    %dma_wait3A_324 = arith.constant 0 : i32
    %dma_wait3A_325 = arith.constant 0 : i32
    %dma_wait3A_326 = tpu.memref_slice %arg3[%dma_wait3A_324, %dma_wait3A_325] : memref<100000x128xf32, #tpu.memory_space<hbm>> -> memref<100000x128xf32, #tpu.memory_space<hbm>>
    tpu.wait_indirect_dma semaphore(%arg8 : memref<!tpu.dma_semaphore, #tpu.memory_space<semaphore_mem>>) src(%dma_wait3A_326 : memref<100000x128xf32, #tpu.memory_space<hbm>>) dst(%arg6 : memref<80x128xf32, #tpu.memory_space<vmem>>)
    %dma_wait3A_327 = arith.constant 0 : i32
    %dma_wait3A_328 = tpu.memref_slice %arg4[%add3A_317, %dma_wait3A_327] : memref<51200x128xf32, #tpu.memory_space<hbm>> -> memref<80x128xf32, #tpu.memory_space<hbm>>
    %dma_wait3A_329 = arith.constant 0 : i32
    %dma_wait3A_330 = tpu.memref_slice %arg4[%add3A_317, %dma_wait3A_329] : memref<51200x128xf32, #tpu.memory_space<hbm>> -> memref<80x128xf32, #tpu.memory_space<hbm>>
    tpu.wait_dma2 semaphore(%arg9 : memref<!tpu.dma_semaphore, #tpu.memory_space<semaphore_mem>>) src(%arg7 : memref<80x128xf32, #tpu.memory_space<vmem>>) dst(%dma_wait3A_330 : memref<80x128xf32, #tpu.memory_space<hbm>>)
    %dma_start3A_331 = arith.constant 1360 : i32
    %dma_start3A_332 = tpu.memref_slice %arg5[%dma_start3A_331] : memref<1600xi32, #tpu.memory_space<vmem>> -> memref<80xi32, #tpu.memory_space<vmem>>
    %dma_start3A_333 = arith.constant 0 : i32
    %dma_start3A_334 = arith.constant 0 : i32
    %dma_start3A_335 = tpu.memref_slice %arg3[%dma_start3A_333, %dma_start3A_334] : memref<100000x128xf32, #tpu.memory_space<hbm>> -> memref<100000x128xf32, #tpu.memory_space<hbm>>
    tpu.enqueue_indirect_dma source(%dma_start3A_335 : memref<100000x128xf32, #tpu.memory_space<hbm>>) target(%arg7 : memref<80x128xf32, #tpu.memory_space<vmem>>) offsets(%dma_start3A_332 : memref<80xi32, #tpu.memory_space<vmem>>) semaphore(%arg8 : memref<!tpu.dma_semaphore, #tpu.memory_space<semaphore_mem>>)
    %add3A_336 = arith.constant 1280 : i32
    %add3A_337 = arith.addi %mul3A_2, %add3A_336 : i32
    %dma_start3A_338 = arith.constant 0 : i32
    %dma_start3A_339 = tpu.memref_slice %arg4[%add3A_337, %dma_start3A_338] : memref<51200x128xf32, #tpu.memory_space<hbm>> -> memref<80x128xf32, #tpu.memory_space<hbm>>
    %dma_start3A_340 = arith.constant 0 : i32
    %dma_start3A_341 = tpu.memref_slice %arg4[%add3A_337, %dma_start3A_340] : memref<51200x128xf32, #tpu.memory_space<hbm>> -> memref<80x128xf32, #tpu.memory_space<hbm>>
    tpu.enqueue_dma source(%arg6 : memref<80x128xf32, #tpu.memory_space<vmem>>) target(%dma_start3A_341 : memref<80x128xf32, #tpu.memory_space<hbm>>) target_semaphore(%arg9 : memref<!tpu.dma_semaphore, #tpu.memory_space<semaphore_mem>>)
    %dma_wait3A_342 = arith.constant 1360 : i32
    %dma_wait3A_343 = tpu.memref_slice %arg5[%dma_wait3A_342] : memref<1600xi32, #tpu.memory_space<vmem>> -> memref<80xi32, #tpu.memory_space<vmem>>
    %dma_wait3A_344 = arith.constant 0 : i32
    %dma_wait3A_345 = arith.constant 0 : i32
    %dma_wait3A_346 = tpu.memref_slice %arg3[%dma_wait3A_344, %dma_wait3A_345] : memref<100000x128xf32, #tpu.memory_space<hbm>> -> memref<100000x128xf32, #tpu.memory_space<hbm>>
    tpu.wait_indirect_dma semaphore(%arg8 : memref<!tpu.dma_semaphore, #tpu.memory_space<semaphore_mem>>) src(%dma_wait3A_346 : memref<100000x128xf32, #tpu.memory_space<hbm>>) dst(%arg7 : memref<80x128xf32, #tpu.memory_space<vmem>>)
    %dma_wait3A_347 = arith.constant 0 : i32
    %dma_wait3A_348 = tpu.memref_slice %arg4[%add3A_337, %dma_wait3A_347] : memref<51200x128xf32, #tpu.memory_space<hbm>> -> memref<80x128xf32, #tpu.memory_space<hbm>>
    %dma_wait3A_349 = arith.constant 0 : i32
    %dma_wait3A_350 = tpu.memref_slice %arg4[%add3A_337, %dma_wait3A_349] : memref<51200x128xf32, #tpu.memory_space<hbm>> -> memref<80x128xf32, #tpu.memory_space<hbm>>
    tpu.wait_dma2 semaphore(%arg9 : memref<!tpu.dma_semaphore, #tpu.memory_space<semaphore_mem>>) src(%arg6 : memref<80x128xf32, #tpu.memory_space<vmem>>) dst(%dma_wait3A_350 : memref<80x128xf32, #tpu.memory_space<hbm>>)
    %dma_start3A_351 = arith.constant 1440 : i32
    %dma_start3A_352 = tpu.memref_slice %arg5[%dma_start3A_351] : memref<1600xi32, #tpu.memory_space<vmem>> -> memref<80xi32, #tpu.memory_space<vmem>>
    %dma_start3A_353 = arith.constant 0 : i32
    %dma_start3A_354 = arith.constant 0 : i32
    %dma_start3A_355 = tpu.memref_slice %arg3[%dma_start3A_353, %dma_start3A_354] : memref<100000x128xf32, #tpu.memory_space<hbm>> -> memref<100000x128xf32, #tpu.memory_space<hbm>>
    tpu.enqueue_indirect_dma source(%dma_start3A_355 : memref<100000x128xf32, #tpu.memory_space<hbm>>) target(%arg6 : memref<80x128xf32, #tpu.memory_space<vmem>>) offsets(%dma_start3A_352 : memref<80xi32, #tpu.memory_space<vmem>>) semaphore(%arg8 : memref<!tpu.dma_semaphore, #tpu.memory_space<semaphore_mem>>)
    %add3A_356 = arith.constant 1360 : i32
    %add3A_357 = arith.addi %mul3A_2, %add3A_356 : i32
    %dma_start3A_358 = arith.constant 0 : i32
    %dma_start3A_359 = tpu.memref_slice %arg4[%add3A_357, %dma_start3A_358] : memref<51200x128xf32, #tpu.memory_space<hbm>> -> memref<80x128xf32, #tpu.memory_space<hbm>>
    %dma_start3A_360 = arith.constant 0 : i32
    %dma_start3A_361 = tpu.memref_slice %arg4[%add3A_357, %dma_start3A_360] : memref<51200x128xf32, #tpu.memory_space<hbm>> -> memref<80x128xf32, #tpu.memory_space<hbm>>
    tpu.enqueue_dma source(%arg7 : memref<80x128xf32, #tpu.memory_space<vmem>>) target(%dma_start3A_361 : memref<80x128xf32, #tpu.memory_space<hbm>>) target_semaphore(%arg9 : memref<!tpu.dma_semaphore, #tpu.memory_space<semaphore_mem>>)
    %dma_wait3A_362 = arith.constant 1440 : i32
    %dma_wait3A_363 = tpu.memref_slice %arg5[%dma_wait3A_362] : memref<1600xi32, #tpu.memory_space<vmem>> -> memref<80xi32, #tpu.memory_space<vmem>>
    %dma_wait3A_364 = arith.constant 0 : i32
    %dma_wait3A_365 = arith.constant 0 : i32
    %dma_wait3A_366 = tpu.memref_slice %arg3[%dma_wait3A_364, %dma_wait3A_365] : memref<100000x128xf32, #tpu.memory_space<hbm>> -> memref<100000x128xf32, #tpu.memory_space<hbm>>
    tpu.wait_indirect_dma semaphore(%arg8 : memref<!tpu.dma_semaphore, #tpu.memory_space<semaphore_mem>>) src(%dma_wait3A_366 : memref<100000x128xf32, #tpu.memory_space<hbm>>) dst(%arg6 : memref<80x128xf32, #tpu.memory_space<vmem>>)
    %dma_wait3A_367 = arith.constant 0 : i32
    %dma_wait3A_368 = tpu.memref_slice %arg4[%add3A_357, %dma_wait3A_367] : memref<51200x128xf32, #tpu.memory_space<hbm>> -> memref<80x128xf32, #tpu.memory_space<hbm>>
    %dma_wait3A_369 = arith.constant 0 : i32
    %dma_wait3A_370 = tpu.memref_slice %arg4[%add3A_357, %dma_wait3A_369] : memref<51200x128xf32, #tpu.memory_space<hbm>> -> memref<80x128xf32, #tpu.memory_space<hbm>>
    tpu.wait_dma2 semaphore(%arg9 : memref<!tpu.dma_semaphore, #tpu.memory_space<semaphore_mem>>) src(%arg7 : memref<80x128xf32, #tpu.memory_space<vmem>>) dst(%dma_wait3A_370 : memref<80x128xf32, #tpu.memory_space<hbm>>)
    %dma_start3A_371 = arith.constant 1520 : i32
    %dma_start3A_372 = tpu.memref_slice %arg5[%dma_start3A_371] : memref<1600xi32, #tpu.memory_space<vmem>> -> memref<80xi32, #tpu.memory_space<vmem>>
    %dma_start3A_373 = arith.constant 0 : i32
    %dma_start3A_374 = arith.constant 0 : i32
    %dma_start3A_375 = tpu.memref_slice %arg3[%dma_start3A_373, %dma_start3A_374] : memref<100000x128xf32, #tpu.memory_space<hbm>> -> memref<100000x128xf32, #tpu.memory_space<hbm>>
    tpu.enqueue_indirect_dma source(%dma_start3A_375 : memref<100000x128xf32, #tpu.memory_space<hbm>>) target(%arg7 : memref<80x128xf32, #tpu.memory_space<vmem>>) offsets(%dma_start3A_372 : memref<80xi32, #tpu.memory_space<vmem>>) semaphore(%arg8 : memref<!tpu.dma_semaphore, #tpu.memory_space<semaphore_mem>>)
    %add3A_376 = arith.constant 1440 : i32
    %add3A_377 = arith.addi %mul3A_2, %add3A_376 : i32
    %dma_start3A_378 = arith.constant 0 : i32
    %dma_start3A_379 = tpu.memref_slice %arg4[%add3A_377, %dma_start3A_378] : memref<51200x128xf32, #tpu.memory_space<hbm>> -> memref<80x128xf32, #tpu.memory_space<hbm>>
    %dma_start3A_380 = arith.constant 0 : i32
    %dma_start3A_381 = tpu.memref_slice %arg4[%add3A_377, %dma_start3A_380] : memref<51200x128xf32, #tpu.memory_space<hbm>> -> memref<80x128xf32, #tpu.memory_space<hbm>>
    tpu.enqueue_dma source(%arg6 : memref<80x128xf32, #tpu.memory_space<vmem>>) target(%dma_start3A_381 : memref<80x128xf32, #tpu.memory_space<hbm>>) target_semaphore(%arg9 : memref<!tpu.dma_semaphore, #tpu.memory_space<semaphore_mem>>)
    %dma_wait3A_382 = arith.constant 1520 : i32
    %dma_wait3A_383 = tpu.memref_slice %arg5[%dma_wait3A_382] : memref<1600xi32, #tpu.memory_space<vmem>> -> memref<80xi32, #tpu.memory_space<vmem>>
    %dma_wait3A_384 = arith.constant 0 : i32
    %dma_wait3A_385 = arith.constant 0 : i32
    %dma_wait3A_386 = tpu.memref_slice %arg3[%dma_wait3A_384, %dma_wait3A_385] : memref<100000x128xf32, #tpu.memory_space<hbm>> -> memref<100000x128xf32, #tpu.memory_space<hbm>>
    tpu.wait_indirect_dma semaphore(%arg8 : memref<!tpu.dma_semaphore, #tpu.memory_space<semaphore_mem>>) src(%dma_wait3A_386 : memref<100000x128xf32, #tpu.memory_space<hbm>>) dst(%arg7 : memref<80x128xf32, #tpu.memory_space<vmem>>)
    %dma_wait3A_387 = arith.constant 0 : i32
    %dma_wait3A_388 = tpu.memref_slice %arg4[%add3A_377, %dma_wait3A_387] : memref<51200x128xf32, #tpu.memory_space<hbm>> -> memref<80x128xf32, #tpu.memory_space<hbm>>
    %dma_wait3A_389 = arith.constant 0 : i32
    %dma_wait3A_390 = tpu.memref_slice %arg4[%add3A_377, %dma_wait3A_389] : memref<51200x128xf32, #tpu.memory_space<hbm>> -> memref<80x128xf32, #tpu.memory_space<hbm>>
    tpu.wait_dma2 semaphore(%arg9 : memref<!tpu.dma_semaphore, #tpu.memory_space<semaphore_mem>>) src(%arg6 : memref<80x128xf32, #tpu.memory_space<vmem>>) dst(%dma_wait3A_390 : memref<80x128xf32, #tpu.memory_space<hbm>>)
    %add3A_391 = arith.constant 1520 : i32
    %add3A_392 = arith.addi %mul3A_2, %add3A_391 : i32
    %dma_start3A_393 = arith.constant 0 : i32
    %dma_start3A_394 = tpu.memref_slice %arg4[%add3A_392, %dma_start3A_393] : memref<51200x128xf32, #tpu.memory_space<hbm>> -> memref<80x128xf32, #tpu.memory_space<hbm>>
    %dma_start3A_395 = arith.constant 0 : i32
    %dma_start3A_396 = tpu.memref_slice %arg4[%add3A_392, %dma_start3A_395] : memref<51200x128xf32, #tpu.memory_space<hbm>> -> memref<80x128xf32, #tpu.memory_space<hbm>>
    tpu.enqueue_dma source(%arg7 : memref<80x128xf32, #tpu.memory_space<vmem>>) target(%dma_start3A_396 : memref<80x128xf32, #tpu.memory_space<hbm>>) target_semaphore(%arg9 : memref<!tpu.dma_semaphore, #tpu.memory_space<semaphore_mem>>)
    %dma_wait3A_397 = arith.constant 0 : i32
    %dma_wait3A_398 = tpu.memref_slice %arg4[%add3A_392, %dma_wait3A_397] : memref<51200x128xf32, #tpu.memory_space<hbm>> -> memref<80x128xf32, #tpu.memory_space<hbm>>
    %dma_wait3A_399 = arith.constant 0 : i32
    %dma_wait3A_400 = tpu.memref_slice %arg4[%add3A_392, %dma_wait3A_399] : memref<51200x128xf32, #tpu.memory_space<hbm>> -> memref<80x128xf32, #tpu.memory_space<hbm>>
    tpu.wait_dma2 semaphore(%arg9 : memref<!tpu.dma_semaphore, #tpu.memory_space<semaphore_mem>>) src(%arg7 : memref<80x128xf32, #tpu.memory_space<vmem>>) dst(%dma_wait3A_400 : memref<80x128xf32, #tpu.memory_space<hbm>>)
    return
  }
}

module attributes {stable_mosaic.version = 14 : i64} {
  func.func @_char_body(%arg0: i32, %arg1: memref<8x800xi32, #tpu.memory_space<vmem>>, %arg2: memref<256x64xf32, #tpu.memory_space<vmem>>, %arg3: memref<3x64x64xf32, #tpu.memory_space<vmem>>, %arg4: memref<1x64xf32, #tpu.memory_space<vmem>>, %arg5: memref<400x64xf32, #tpu.memory_space<vmem>>) attributes {dimension_semantics = [#tpu.dimension_semantics<arbitrary>], iteration_bounds = array<i64: 128>, scalar_prefetch = 0 : i64, scratch_operands = 0 : i64, tpu.core_type = #tpu.core_type<tc>, window_params = [{transform_indices = @transform_0, window_bounds = array<i64: 8, 800>}, {pipeline_mode = #tpu.pipeline_mode<synchronous>, transform_indices = @transform_1, window_bounds = array<i64: 256, 64>}, {pipeline_mode = #tpu.pipeline_mode<synchronous>, transform_indices = @transform_2, window_bounds = array<i64: 3, 64, 64>}, {pipeline_mode = #tpu.pipeline_mode<synchronous>, transform_indices = @transform_3, window_bounds = array<i64: 1, 64>}, {transform_indices = @transform_4, window_bounds = array<i64: 400, 64>}]} {
    %get3A = arith.constant 0 : index
    %get3A_0 = arith.constant 0 : index
    %get3A_1 = vector.load %arg2[%get3A, %get3A_0] : memref<256x64xf32, #tpu.memory_space<vmem>>, vector<256x64xf32>
    %get3A_2 = arith.constant 0 : index
    %get3A_3 = arith.constant 0 : index
    %get3A_4 = arith.constant 0 : index
    %get3A_5 = vector.load %arg3[%get3A_2, %get3A_3, %get3A_4] : memref<3x64x64xf32, #tpu.memory_space<vmem>>, vector<1x64x64xf32>
    %get3A_6 = vector.shape_cast %get3A_5 : vector<1x64x64xf32> to vector<64x64xf32>
    %dot_general3A = arith.constant dense<0.000000e+00> : vector<256x64xf32>
    %dot_general3A_7 = tpu.matmul %get3A_1, %get3A_6, %dot_general3A {dimension_numbers = #tpu.dot_dimension_numbers<[1], [1], [0], [0], [0, 0, 1, 0], [], []>, transpose_lhs_hint = false} : vector<256x64xf32>, vector<64x64xf32>, vector<256x64xf32> -> vector<256x64xf32>
    %get3A_8 = arith.constant 1 : index
    %get3A_9 = arith.constant 0 : index
    %get3A_10 = arith.constant 0 : index
    %get3A_11 = vector.load %arg3[%get3A_8, %get3A_9, %get3A_10] : memref<3x64x64xf32, #tpu.memory_space<vmem>>, vector<1x64x64xf32>
    %get3A_12 = vector.shape_cast %get3A_11 : vector<1x64x64xf32> to vector<64x64xf32>
    %dot_general3A_13 = arith.constant dense<0.000000e+00> : vector<256x64xf32>
    %dot_general3A_14 = tpu.matmul %get3A_1, %get3A_12, %dot_general3A_13 {dimension_numbers = #tpu.dot_dimension_numbers<[1], [1], [0], [0], [0, 0, 1, 0], [], []>, transpose_lhs_hint = false} : vector<256x64xf32>, vector<64x64xf32>, vector<256x64xf32> -> vector<256x64xf32>
    %get3A_15 = arith.constant 2 : index
    %get3A_16 = arith.constant 0 : index
    %get3A_17 = arith.constant 0 : index
    %get3A_18 = vector.load %arg3[%get3A_15, %get3A_16, %get3A_17] : memref<3x64x64xf32, #tpu.memory_space<vmem>>, vector<1x64x64xf32>
    %get3A_19 = vector.shape_cast %get3A_18 : vector<1x64x64xf32> to vector<64x64xf32>
    %dot_general3A_20 = arith.constant dense<0.000000e+00> : vector<256x64xf32>
    %dot_general3A_21 = tpu.matmul %get3A_1, %get3A_19, %dot_general3A_20 {dimension_numbers = #tpu.dot_dimension_numbers<[1], [1], [0], [0], [0, 0, 1, 0], [], []>, transpose_lhs_hint = false} : vector<256x64xf32>, vector<64x64xf32>, vector<256x64xf32> -> vector<256x64xf32>
    %get3A_22 = arith.constant 0 : index
    %get3A_23 = arith.constant 0 : index
    %get3A_24 = vector.load %arg4[%get3A_22, %get3A_23] : memref<1x64xf32, #tpu.memory_space<vmem>>, vector<1x64xf32>
    %add3A = vector.broadcast %get3A_24 : vector<1x64xf32> to vector<256x64xf32>
    %add3A_25 = arith.addf %dot_general3A_14, %add3A : vector<256x64xf32>
    %concatenate3A = tpu.concatenate %dot_general3A_7, %add3A_25, %dot_general3A_21 in 1 : vector<256x64xf32>, vector<256x64xf32>, vector<256x64xf32> -> vector<256x192xf32>
    %convert_element_type3A = arith.truncf %concatenate3A : vector<256x192xf32> to vector<256x192xbf16>
    %get3A_26 = arith.constant 0 : index
    %get3A_27 = arith.constant 0 : index
    %get3A_28 = vector.load %arg1[%get3A_26, %get3A_27] : memref<8x800xi32, #tpu.memory_space<vmem>>, vector<8x800xi32>
    %transpose3A = tpu.transpose %get3A_28, [1, 0] : vector<8x800xi32> -> vector<800x8xi32>
    %iota3A = tpu.iota {dimensions = array<i32: 1>} : vector<800x256xi16>
    %broadcast_in_dim3A = arith.constant 0.000000e+00 : f32
    %broadcast_in_dim3A_29 = vector.broadcast %broadcast_in_dim3A : f32 to vector<1x64xf32>
    %slice3A = vector.extract_strided_slice %transpose3A {offsets = [0, 0], sizes = [800, 1], strides = [1, 1]} : vector<800x8xi32> to vector<800x1xi32>
    %convert_element_type3A_30 = arith.trunci %slice3A : vector<800x1xi32> to vector<800x1xi16>
    %eq3A = vector.broadcast %convert_element_type3A_30 : vector<800x1xi16> to vector<800x256xi16>
    %eq3A_31 = arith.cmpi eq, %eq3A, %iota3A : vector<800x256xi16>
    %jit3A = arith.constant 1.000000e+00 : bf16
    %jit3A_32 = arith.constant 0.000000e+00 : bf16
    %broadcast_in_dim3A_33 = vector.broadcast %jit3A : bf16 to vector<800x256xbf16>
    %broadcast_in_dim3A_34 = vector.broadcast %jit3A_32 : bf16 to vector<800x256xbf16>
    %select_n3A = arith.select %eq3A_31, %broadcast_in_dim3A_33, %broadcast_in_dim3A_34 : vector<800x256xi1>, vector<800x256xbf16>
    %dot_general3A_35 = arith.constant dense<0.000000e+00> : vector<800x192xf32>
    %dot_general3A_36 = tpu.matmul %select_n3A, %convert_element_type3A, %dot_general3A_35 {dimension_numbers = #tpu.dot_dimension_numbers<[1], [0], [0], [1], [0, 0, 1, 1], [], []>, transpose_lhs_hint = false} : vector<800x256xbf16>, vector<256x192xbf16>, vector<800x192xf32> -> vector<800x192xf32>
    %slice3A_37 = vector.extract_strided_slice %dot_general3A_36 {offsets = [0, 0], sizes = [799, 64], strides = [1, 1]} : vector<800x192xf32> to vector<799x64xf32>
    %concatenate3A_38 = tpu.concatenate %broadcast_in_dim3A_29, %slice3A_37 in 0 : vector<1x64xf32>, vector<799x64xf32> -> vector<800x64xf32>
    %slice3A_39 = vector.extract_strided_slice %dot_general3A_36 {offsets = [0, 64], sizes = [800, 64], strides = [1, 1]} : vector<800x192xf32> to vector<800x64xf32>
    %add3A_40 = arith.addf %concatenate3A_38, %slice3A_39 : vector<800x64xf32>
    %slice3A_41 = vector.extract_strided_slice %dot_general3A_36 {offsets = [1, 128], sizes = [799, 64], strides = [1, 1]} : vector<800x192xf32> to vector<799x64xf32>
    %concatenate3A_42 = tpu.concatenate %slice3A_41, %broadcast_in_dim3A_29 in 0 : vector<799x64xf32>, vector<1x64xf32> -> vector<800x64xf32>
    %add3A_43 = arith.addf %add3A_40, %concatenate3A_42 : vector<800x64xf32>
    %max3A = arith.constant 0.000000e+00 : f32
    %max3A_44 = vector.broadcast %max3A : f32 to vector<800x64xf32>
    %max3A_45 = arith.maximumf %add3A_43, %max3A_44 : vector<800x64xf32>
    %reshape3A = vector.shape_cast %max3A_45 : vector<800x64xf32> to vector<50x16x64xf32>
    %slice3A_46 = vector.extract_strided_slice %reshape3A {offsets = [0, 0, 0], sizes = [50, 8, 64], strides = [1, 1, 1]} : vector<50x16x64xf32> to vector<50x8x64xf32>
    %slice3A_47 = vector.extract_strided_slice %reshape3A {offsets = [0, 8, 0], sizes = [50, 8, 64], strides = [1, 1, 1]} : vector<50x16x64xf32> to vector<50x8x64xf32>
    %max3A_48 = arith.maximumf %slice3A_46, %slice3A_47 : vector<50x8x64xf32>
    %slice3A_49 = vector.extract_strided_slice %max3A_48 {offsets = [0, 0, 0], sizes = [50, 4, 64], strides = [1, 1, 1]} : vector<50x8x64xf32> to vector<50x4x64xf32>
    %slice3A_50 = vector.extract_strided_slice %max3A_48 {offsets = [0, 4, 0], sizes = [50, 4, 64], strides = [1, 1, 1]} : vector<50x8x64xf32> to vector<50x4x64xf32>
    %max3A_51 = arith.maximumf %slice3A_49, %slice3A_50 : vector<50x4x64xf32>
    %slice3A_52 = vector.extract_strided_slice %max3A_51 {offsets = [0, 0, 0], sizes = [50, 2, 64], strides = [1, 1, 1]} : vector<50x4x64xf32> to vector<50x2x64xf32>
    %slice3A_53 = vector.extract_strided_slice %max3A_51 {offsets = [0, 2, 0], sizes = [50, 2, 64], strides = [1, 1, 1]} : vector<50x4x64xf32> to vector<50x2x64xf32>
    %max3A_54 = arith.maximumf %slice3A_52, %slice3A_53 : vector<50x2x64xf32>
    %slice3A_55 = vector.extract_strided_slice %max3A_54 {offsets = [0, 0, 0], sizes = [50, 1, 64], strides = [1, 1, 1]} : vector<50x2x64xf32> to vector<50x1x64xf32>
    %slice3A_56 = vector.extract_strided_slice %max3A_54 {offsets = [0, 1, 0], sizes = [50, 1, 64], strides = [1, 1, 1]} : vector<50x2x64xf32> to vector<50x1x64xf32>
    %max3A_57 = arith.maximumf %slice3A_55, %slice3A_56 : vector<50x1x64xf32>
    %reshape3A_58 = vector.shape_cast %max3A_57 : vector<50x1x64xf32> to vector<50x64xf32>
    %swap3A = arith.constant 0 : index
    %swap3A_59 = arith.constant 0 : index
    %swap3A_60 = vector.load %arg5[%swap3A, %swap3A_59] : memref<400x64xf32, #tpu.memory_space<vmem>>, vector<50x64xf32>
    tpu.vector_store %arg5[%swap3A, %swap3A_59], %reshape3A_58 {strides = array<i32>} : memref<400x64xf32, #tpu.memory_space<vmem>>, vector<50x64xf32>,
    %slice3A_61 = vector.extract_strided_slice %transpose3A {offsets = [0, 1], sizes = [800, 1], strides = [1, 1]} : vector<800x8xi32> to vector<800x1xi32>
    %convert_element_type3A_62 = arith.trunci %slice3A_61 : vector<800x1xi32> to vector<800x1xi16>
    %eq3A_63 = vector.broadcast %convert_element_type3A_62 : vector<800x1xi16> to vector<800x256xi16>
    %eq3A_64 = arith.cmpi eq, %eq3A_63, %iota3A : vector<800x256xi16>
    %jit3A_65 = arith.constant 1.000000e+00 : bf16
    %jit3A_66 = arith.constant 0.000000e+00 : bf16
    %broadcast_in_dim3A_67 = vector.broadcast %jit3A_65 : bf16 to vector<800x256xbf16>
    %broadcast_in_dim3A_68 = vector.broadcast %jit3A_66 : bf16 to vector<800x256xbf16>
    %select_n3A_69 = arith.select %eq3A_64, %broadcast_in_dim3A_67, %broadcast_in_dim3A_68 : vector<800x256xi1>, vector<800x256xbf16>
    %dot_general3A_70 = arith.constant dense<0.000000e+00> : vector<800x192xf32>
    %dot_general3A_71 = tpu.matmul %select_n3A_69, %convert_element_type3A, %dot_general3A_70 {dimension_numbers = #tpu.dot_dimension_numbers<[1], [0], [0], [1], [0, 0, 1, 1], [], []>, transpose_lhs_hint = false} : vector<800x256xbf16>, vector<256x192xbf16>, vector<800x192xf32> -> vector<800x192xf32>
    %slice3A_72 = vector.extract_strided_slice %dot_general3A_71 {offsets = [0, 0], sizes = [799, 64], strides = [1, 1]} : vector<800x192xf32> to vector<799x64xf32>
    %concatenate3A_73 = tpu.concatenate %broadcast_in_dim3A_29, %slice3A_72 in 0 : vector<1x64xf32>, vector<799x64xf32> -> vector<800x64xf32>
    %slice3A_74 = vector.extract_strided_slice %dot_general3A_71 {offsets = [0, 64], sizes = [800, 64], strides = [1, 1]} : vector<800x192xf32> to vector<800x64xf32>
    %add3A_75 = arith.addf %concatenate3A_73, %slice3A_74 : vector<800x64xf32>
    %slice3A_76 = vector.extract_strided_slice %dot_general3A_71 {offsets = [1, 128], sizes = [799, 64], strides = [1, 1]} : vector<800x192xf32> to vector<799x64xf32>
    %concatenate3A_77 = tpu.concatenate %slice3A_76, %broadcast_in_dim3A_29 in 0 : vector<799x64xf32>, vector<1x64xf32> -> vector<800x64xf32>
    %add3A_78 = arith.addf %add3A_75, %concatenate3A_77 : vector<800x64xf32>
    %max3A_79 = arith.constant 0.000000e+00 : f32
    %max3A_80 = vector.broadcast %max3A_79 : f32 to vector<800x64xf32>
    %max3A_81 = arith.maximumf %add3A_78, %max3A_80 : vector<800x64xf32>
    %reshape3A_82 = vector.shape_cast %max3A_81 : vector<800x64xf32> to vector<50x16x64xf32>
    %slice3A_83 = vector.extract_strided_slice %reshape3A_82 {offsets = [0, 0, 0], sizes = [50, 8, 64], strides = [1, 1, 1]} : vector<50x16x64xf32> to vector<50x8x64xf32>
    %slice3A_84 = vector.extract_strided_slice %reshape3A_82 {offsets = [0, 8, 0], sizes = [50, 8, 64], strides = [1, 1, 1]} : vector<50x16x64xf32> to vector<50x8x64xf32>
    %max3A_85 = arith.maximumf %slice3A_83, %slice3A_84 : vector<50x8x64xf32>
    %slice3A_86 = vector.extract_strided_slice %max3A_85 {offsets = [0, 0, 0], sizes = [50, 4, 64], strides = [1, 1, 1]} : vector<50x8x64xf32> to vector<50x4x64xf32>
    %slice3A_87 = vector.extract_strided_slice %max3A_85 {offsets = [0, 4, 0], sizes = [50, 4, 64], strides = [1, 1, 1]} : vector<50x8x64xf32> to vector<50x4x64xf32>
    %max3A_88 = arith.maximumf %slice3A_86, %slice3A_87 : vector<50x4x64xf32>
    %slice3A_89 = vector.extract_strided_slice %max3A_88 {offsets = [0, 0, 0], sizes = [50, 2, 64], strides = [1, 1, 1]} : vector<50x4x64xf32> to vector<50x2x64xf32>
    %slice3A_90 = vector.extract_strided_slice %max3A_88 {offsets = [0, 2, 0], sizes = [50, 2, 64], strides = [1, 1, 1]} : vector<50x4x64xf32> to vector<50x2x64xf32>
    %max3A_91 = arith.maximumf %slice3A_89, %slice3A_90 : vector<50x2x64xf32>
    %slice3A_92 = vector.extract_strided_slice %max3A_91 {offsets = [0, 0, 0], sizes = [50, 1, 64], strides = [1, 1, 1]} : vector<50x2x64xf32> to vector<50x1x64xf32>
    %slice3A_93 = vector.extract_strided_slice %max3A_91 {offsets = [0, 1, 0], sizes = [50, 1, 64], strides = [1, 1, 1]} : vector<50x2x64xf32> to vector<50x1x64xf32>
    %max3A_94 = arith.maximumf %slice3A_92, %slice3A_93 : vector<50x1x64xf32>
    %reshape3A_95 = vector.shape_cast %max3A_94 : vector<50x1x64xf32> to vector<50x64xf32>
    %swap3A_96 = arith.constant 50 : index
    %swap3A_97 = arith.constant 0 : index
    %swap3A_98 = vector.load %arg5[%swap3A_96, %swap3A_97] : memref<400x64xf32, #tpu.memory_space<vmem>>, vector<50x64xf32>
    tpu.vector_store %arg5[%swap3A_96, %swap3A_97], %reshape3A_95 {strides = array<i32>} : memref<400x64xf32, #tpu.memory_space<vmem>>, vector<50x64xf32>,
    %slice3A_99 = vector.extract_strided_slice %transpose3A {offsets = [0, 2], sizes = [800, 1], strides = [1, 1]} : vector<800x8xi32> to vector<800x1xi32>
    %convert_element_type3A_100 = arith.trunci %slice3A_99 : vector<800x1xi32> to vector<800x1xi16>
    %eq3A_101 = vector.broadcast %convert_element_type3A_100 : vector<800x1xi16> to vector<800x256xi16>
    %eq3A_102 = arith.cmpi eq, %eq3A_101, %iota3A : vector<800x256xi16>
    %jit3A_103 = arith.constant 1.000000e+00 : bf16
    %jit3A_104 = arith.constant 0.000000e+00 : bf16
    %broadcast_in_dim3A_105 = vector.broadcast %jit3A_103 : bf16 to vector<800x256xbf16>
    %broadcast_in_dim3A_106 = vector.broadcast %jit3A_104 : bf16 to vector<800x256xbf16>
    %select_n3A_107 = arith.select %eq3A_102, %broadcast_in_dim3A_105, %broadcast_in_dim3A_106 : vector<800x256xi1>, vector<800x256xbf16>
    %dot_general3A_108 = arith.constant dense<0.000000e+00> : vector<800x192xf32>
    %dot_general3A_109 = tpu.matmul %select_n3A_107, %convert_element_type3A, %dot_general3A_108 {dimension_numbers = #tpu.dot_dimension_numbers<[1], [0], [0], [1], [0, 0, 1, 1], [], []>, transpose_lhs_hint = false} : vector<800x256xbf16>, vector<256x192xbf16>, vector<800x192xf32> -> vector<800x192xf32>
    %slice3A_110 = vector.extract_strided_slice %dot_general3A_109 {offsets = [0, 0], sizes = [799, 64], strides = [1, 1]} : vector<800x192xf32> to vector<799x64xf32>
    %concatenate3A_111 = tpu.concatenate %broadcast_in_dim3A_29, %slice3A_110 in 0 : vector<1x64xf32>, vector<799x64xf32> -> vector<800x64xf32>
    %slice3A_112 = vector.extract_strided_slice %dot_general3A_109 {offsets = [0, 64], sizes = [800, 64], strides = [1, 1]} : vector<800x192xf32> to vector<800x64xf32>
    %add3A_113 = arith.addf %concatenate3A_111, %slice3A_112 : vector<800x64xf32>
    %slice3A_114 = vector.extract_strided_slice %dot_general3A_109 {offsets = [1, 128], sizes = [799, 64], strides = [1, 1]} : vector<800x192xf32> to vector<799x64xf32>
    %concatenate3A_115 = tpu.concatenate %slice3A_114, %broadcast_in_dim3A_29 in 0 : vector<799x64xf32>, vector<1x64xf32> -> vector<800x64xf32>
    %add3A_116 = arith.addf %add3A_113, %concatenate3A_115 : vector<800x64xf32>
    %max3A_117 = arith.constant 0.000000e+00 : f32
    %max3A_118 = vector.broadcast %max3A_117 : f32 to vector<800x64xf32>
    %max3A_119 = arith.maximumf %add3A_116, %max3A_118 : vector<800x64xf32>
    %reshape3A_120 = vector.shape_cast %max3A_119 : vector<800x64xf32> to vector<50x16x64xf32>
    %slice3A_121 = vector.extract_strided_slice %reshape3A_120 {offsets = [0, 0, 0], sizes = [50, 8, 64], strides = [1, 1, 1]} : vector<50x16x64xf32> to vector<50x8x64xf32>
    %slice3A_122 = vector.extract_strided_slice %reshape3A_120 {offsets = [0, 8, 0], sizes = [50, 8, 64], strides = [1, 1, 1]} : vector<50x16x64xf32> to vector<50x8x64xf32>
    %max3A_123 = arith.maximumf %slice3A_121, %slice3A_122 : vector<50x8x64xf32>
    %slice3A_124 = vector.extract_strided_slice %max3A_123 {offsets = [0, 0, 0], sizes = [50, 4, 64], strides = [1, 1, 1]} : vector<50x8x64xf32> to vector<50x4x64xf32>
    %slice3A_125 = vector.extract_strided_slice %max3A_123 {offsets = [0, 4, 0], sizes = [50, 4, 64], strides = [1, 1, 1]} : vector<50x8x64xf32> to vector<50x4x64xf32>
    %max3A_126 = arith.maximumf %slice3A_124, %slice3A_125 : vector<50x4x64xf32>
    %slice3A_127 = vector.extract_strided_slice %max3A_126 {offsets = [0, 0, 0], sizes = [50, 2, 64], strides = [1, 1, 1]} : vector<50x4x64xf32> to vector<50x2x64xf32>
    %slice3A_128 = vector.extract_strided_slice %max3A_126 {offsets = [0, 2, 0], sizes = [50, 2, 64], strides = [1, 1, 1]} : vector<50x4x64xf32> to vector<50x2x64xf32>
    %max3A_129 = arith.maximumf %slice3A_127, %slice3A_128 : vector<50x2x64xf32>
    %slice3A_130 = vector.extract_strided_slice %max3A_129 {offsets = [0, 0, 0], sizes = [50, 1, 64], strides = [1, 1, 1]} : vector<50x2x64xf32> to vector<50x1x64xf32>
    %slice3A_131 = vector.extract_strided_slice %max3A_129 {offsets = [0, 1, 0], sizes = [50, 1, 64], strides = [1, 1, 1]} : vector<50x2x64xf32> to vector<50x1x64xf32>
    %max3A_132 = arith.maximumf %slice3A_130, %slice3A_131 : vector<50x1x64xf32>
    %reshape3A_133 = vector.shape_cast %max3A_132 : vector<50x1x64xf32> to vector<50x64xf32>
    %swap3A_134 = arith.constant 100 : index
    %swap3A_135 = arith.constant 0 : index
    %swap3A_136 = vector.load %arg5[%swap3A_134, %swap3A_135] : memref<400x64xf32, #tpu.memory_space<vmem>>, vector<50x64xf32>
    tpu.vector_store %arg5[%swap3A_134, %swap3A_135], %reshape3A_133 {strides = array<i32>} : memref<400x64xf32, #tpu.memory_space<vmem>>, vector<50x64xf32>,
    %slice3A_137 = vector.extract_strided_slice %transpose3A {offsets = [0, 3], sizes = [800, 1], strides = [1, 1]} : vector<800x8xi32> to vector<800x1xi32>
    %convert_element_type3A_138 = arith.trunci %slice3A_137 : vector<800x1xi32> to vector<800x1xi16>
    %eq3A_139 = vector.broadcast %convert_element_type3A_138 : vector<800x1xi16> to vector<800x256xi16>
    %eq3A_140 = arith.cmpi eq, %eq3A_139, %iota3A : vector<800x256xi16>
    %jit3A_141 = arith.constant 1.000000e+00 : bf16
    %jit3A_142 = arith.constant 0.000000e+00 : bf16
    %broadcast_in_dim3A_143 = vector.broadcast %jit3A_141 : bf16 to vector<800x256xbf16>
    %broadcast_in_dim3A_144 = vector.broadcast %jit3A_142 : bf16 to vector<800x256xbf16>
    %select_n3A_145 = arith.select %eq3A_140, %broadcast_in_dim3A_143, %broadcast_in_dim3A_144 : vector<800x256xi1>, vector<800x256xbf16>
    %dot_general3A_146 = arith.constant dense<0.000000e+00> : vector<800x192xf32>
    %dot_general3A_147 = tpu.matmul %select_n3A_145, %convert_element_type3A, %dot_general3A_146 {dimension_numbers = #tpu.dot_dimension_numbers<[1], [0], [0], [1], [0, 0, 1, 1], [], []>, transpose_lhs_hint = false} : vector<800x256xbf16>, vector<256x192xbf16>, vector<800x192xf32> -> vector<800x192xf32>
    %slice3A_148 = vector.extract_strided_slice %dot_general3A_147 {offsets = [0, 0], sizes = [799, 64], strides = [1, 1]} : vector<800x192xf32> to vector<799x64xf32>
    %concatenate3A_149 = tpu.concatenate %broadcast_in_dim3A_29, %slice3A_148 in 0 : vector<1x64xf32>, vector<799x64xf32> -> vector<800x64xf32>
    %slice3A_150 = vector.extract_strided_slice %dot_general3A_147 {offsets = [0, 64], sizes = [800, 64], strides = [1, 1]} : vector<800x192xf32> to vector<800x64xf32>
    %add3A_151 = arith.addf %concatenate3A_149, %slice3A_150 : vector<800x64xf32>
    %slice3A_152 = vector.extract_strided_slice %dot_general3A_147 {offsets = [1, 128], sizes = [799, 64], strides = [1, 1]} : vector<800x192xf32> to vector<799x64xf32>
    %concatenate3A_153 = tpu.concatenate %slice3A_152, %broadcast_in_dim3A_29 in 0 : vector<799x64xf32>, vector<1x64xf32> -> vector<800x64xf32>
    %add3A_154 = arith.addf %add3A_151, %concatenate3A_153 : vector<800x64xf32>
    %max3A_155 = arith.constant 0.000000e+00 : f32
    %max3A_156 = vector.broadcast %max3A_155 : f32 to vector<800x64xf32>
    %max3A_157 = arith.maximumf %add3A_154, %max3A_156 : vector<800x64xf32>
    %reshape3A_158 = vector.shape_cast %max3A_157 : vector<800x64xf32> to vector<50x16x64xf32>
    %slice3A_159 = vector.extract_strided_slice %reshape3A_158 {offsets = [0, 0, 0], sizes = [50, 8, 64], strides = [1, 1, 1]} : vector<50x16x64xf32> to vector<50x8x64xf32>
    %slice3A_160 = vector.extract_strided_slice %reshape3A_158 {offsets = [0, 8, 0], sizes = [50, 8, 64], strides = [1, 1, 1]} : vector<50x16x64xf32> to vector<50x8x64xf32>
    %max3A_161 = arith.maximumf %slice3A_159, %slice3A_160 : vector<50x8x64xf32>
    %slice3A_162 = vector.extract_strided_slice %max3A_161 {offsets = [0, 0, 0], sizes = [50, 4, 64], strides = [1, 1, 1]} : vector<50x8x64xf32> to vector<50x4x64xf32>
    %slice3A_163 = vector.extract_strided_slice %max3A_161 {offsets = [0, 4, 0], sizes = [50, 4, 64], strides = [1, 1, 1]} : vector<50x8x64xf32> to vector<50x4x64xf32>
    %max3A_164 = arith.maximumf %slice3A_162, %slice3A_163 : vector<50x4x64xf32>
    %slice3A_165 = vector.extract_strided_slice %max3A_164 {offsets = [0, 0, 0], sizes = [50, 2, 64], strides = [1, 1, 1]} : vector<50x4x64xf32> to vector<50x2x64xf32>
    %slice3A_166 = vector.extract_strided_slice %max3A_164 {offsets = [0, 2, 0], sizes = [50, 2, 64], strides = [1, 1, 1]} : vector<50x4x64xf32> to vector<50x2x64xf32>
    %max3A_167 = arith.maximumf %slice3A_165, %slice3A_166 : vector<50x2x64xf32>
    %slice3A_168 = vector.extract_strided_slice %max3A_167 {offsets = [0, 0, 0], sizes = [50, 1, 64], strides = [1, 1, 1]} : vector<50x2x64xf32> to vector<50x1x64xf32>
    %slice3A_169 = vector.extract_strided_slice %max3A_167 {offsets = [0, 1, 0], sizes = [50, 1, 64], strides = [1, 1, 1]} : vector<50x2x64xf32> to vector<50x1x64xf32>
    %max3A_170 = arith.maximumf %slice3A_168, %slice3A_169 : vector<50x1x64xf32>
    %reshape3A_171 = vector.shape_cast %max3A_170 : vector<50x1x64xf32> to vector<50x64xf32>
    %swap3A_172 = arith.constant 150 : index
    %swap3A_173 = arith.constant 0 : index
    %swap3A_174 = vector.load %arg5[%swap3A_172, %swap3A_173] : memref<400x64xf32, #tpu.memory_space<vmem>>, vector<50x64xf32>
    tpu.vector_store %arg5[%swap3A_172, %swap3A_173], %reshape3A_171 {strides = array<i32>} : memref<400x64xf32, #tpu.memory_space<vmem>>, vector<50x64xf32>,
    %slice3A_175 = vector.extract_strided_slice %transpose3A {offsets = [0, 4], sizes = [800, 1], strides = [1, 1]} : vector<800x8xi32> to vector<800x1xi32>
    %convert_element_type3A_176 = arith.trunci %slice3A_175 : vector<800x1xi32> to vector<800x1xi16>
    %eq3A_177 = vector.broadcast %convert_element_type3A_176 : vector<800x1xi16> to vector<800x256xi16>
    %eq3A_178 = arith.cmpi eq, %eq3A_177, %iota3A : vector<800x256xi16>
    %jit3A_179 = arith.constant 1.000000e+00 : bf16
    %jit3A_180 = arith.constant 0.000000e+00 : bf16
    %broadcast_in_dim3A_181 = vector.broadcast %jit3A_179 : bf16 to vector<800x256xbf16>
    %broadcast_in_dim3A_182 = vector.broadcast %jit3A_180 : bf16 to vector<800x256xbf16>
    %select_n3A_183 = arith.select %eq3A_178, %broadcast_in_dim3A_181, %broadcast_in_dim3A_182 : vector<800x256xi1>, vector<800x256xbf16>
    %dot_general3A_184 = arith.constant dense<0.000000e+00> : vector<800x192xf32>
    %dot_general3A_185 = tpu.matmul %select_n3A_183, %convert_element_type3A, %dot_general3A_184 {dimension_numbers = #tpu.dot_dimension_numbers<[1], [0], [0], [1], [0, 0, 1, 1], [], []>, transpose_lhs_hint = false} : vector<800x256xbf16>, vector<256x192xbf16>, vector<800x192xf32> -> vector<800x192xf32>
    %slice3A_186 = vector.extract_strided_slice %dot_general3A_185 {offsets = [0, 0], sizes = [799, 64], strides = [1, 1]} : vector<800x192xf32> to vector<799x64xf32>
    %concatenate3A_187 = tpu.concatenate %broadcast_in_dim3A_29, %slice3A_186 in 0 : vector<1x64xf32>, vector<799x64xf32> -> vector<800x64xf32>
    %slice3A_188 = vector.extract_strided_slice %dot_general3A_185 {offsets = [0, 64], sizes = [800, 64], strides = [1, 1]} : vector<800x192xf32> to vector<800x64xf32>
    %add3A_189 = arith.addf %concatenate3A_187, %slice3A_188 : vector<800x64xf32>
    %slice3A_190 = vector.extract_strided_slice %dot_general3A_185 {offsets = [1, 128], sizes = [799, 64], strides = [1, 1]} : vector<800x192xf32> to vector<799x64xf32>
    %concatenate3A_191 = tpu.concatenate %slice3A_190, %broadcast_in_dim3A_29 in 0 : vector<799x64xf32>, vector<1x64xf32> -> vector<800x64xf32>
    %add3A_192 = arith.addf %add3A_189, %concatenate3A_191 : vector<800x64xf32>
    %max3A_193 = arith.constant 0.000000e+00 : f32
    %max3A_194 = vector.broadcast %max3A_193 : f32 to vector<800x64xf32>
    %max3A_195 = arith.maximumf %add3A_192, %max3A_194 : vector<800x64xf32>
    %reshape3A_196 = vector.shape_cast %max3A_195 : vector<800x64xf32> to vector<50x16x64xf32>
    %slice3A_197 = vector.extract_strided_slice %reshape3A_196 {offsets = [0, 0, 0], sizes = [50, 8, 64], strides = [1, 1, 1]} : vector<50x16x64xf32> to vector<50x8x64xf32>
    %slice3A_198 = vector.extract_strided_slice %reshape3A_196 {offsets = [0, 8, 0], sizes = [50, 8, 64], strides = [1, 1, 1]} : vector<50x16x64xf32> to vector<50x8x64xf32>
    %max3A_199 = arith.maximumf %slice3A_197, %slice3A_198 : vector<50x8x64xf32>
    %slice3A_200 = vector.extract_strided_slice %max3A_199 {offsets = [0, 0, 0], sizes = [50, 4, 64], strides = [1, 1, 1]} : vector<50x8x64xf32> to vector<50x4x64xf32>
    %slice3A_201 = vector.extract_strided_slice %max3A_199 {offsets = [0, 4, 0], sizes = [50, 4, 64], strides = [1, 1, 1]} : vector<50x8x64xf32> to vector<50x4x64xf32>
    %max3A_202 = arith.maximumf %slice3A_200, %slice3A_201 : vector<50x4x64xf32>
    %slice3A_203 = vector.extract_strided_slice %max3A_202 {offsets = [0, 0, 0], sizes = [50, 2, 64], strides = [1, 1, 1]} : vector<50x4x64xf32> to vector<50x2x64xf32>
    %slice3A_204 = vector.extract_strided_slice %max3A_202 {offsets = [0, 2, 0], sizes = [50, 2, 64], strides = [1, 1, 1]} : vector<50x4x64xf32> to vector<50x2x64xf32>
    %max3A_205 = arith.maximumf %slice3A_203, %slice3A_204 : vector<50x2x64xf32>
    %slice3A_206 = vector.extract_strided_slice %max3A_205 {offsets = [0, 0, 0], sizes = [50, 1, 64], strides = [1, 1, 1]} : vector<50x2x64xf32> to vector<50x1x64xf32>
    %slice3A_207 = vector.extract_strided_slice %max3A_205 {offsets = [0, 1, 0], sizes = [50, 1, 64], strides = [1, 1, 1]} : vector<50x2x64xf32> to vector<50x1x64xf32>
    %max3A_208 = arith.maximumf %slice3A_206, %slice3A_207 : vector<50x1x64xf32>
    %reshape3A_209 = vector.shape_cast %max3A_208 : vector<50x1x64xf32> to vector<50x64xf32>
    %swap3A_210 = arith.constant 200 : index
    %swap3A_211 = arith.constant 0 : index
    %swap3A_212 = vector.load %arg5[%swap3A_210, %swap3A_211] : memref<400x64xf32, #tpu.memory_space<vmem>>, vector<50x64xf32>
    tpu.vector_store %arg5[%swap3A_210, %swap3A_211], %reshape3A_209 {strides = array<i32>} : memref<400x64xf32, #tpu.memory_space<vmem>>, vector<50x64xf32>,
    %slice3A_213 = vector.extract_strided_slice %transpose3A {offsets = [0, 5], sizes = [800, 1], strides = [1, 1]} : vector<800x8xi32> to vector<800x1xi32>
    %convert_element_type3A_214 = arith.trunci %slice3A_213 : vector<800x1xi32> to vector<800x1xi16>
    %eq3A_215 = vector.broadcast %convert_element_type3A_214 : vector<800x1xi16> to vector<800x256xi16>
    %eq3A_216 = arith.cmpi eq, %eq3A_215, %iota3A : vector<800x256xi16>
    %jit3A_217 = arith.constant 1.000000e+00 : bf16
    %jit3A_218 = arith.constant 0.000000e+00 : bf16
    %broadcast_in_dim3A_219 = vector.broadcast %jit3A_217 : bf16 to vector<800x256xbf16>
    %broadcast_in_dim3A_220 = vector.broadcast %jit3A_218 : bf16 to vector<800x256xbf16>
    %select_n3A_221 = arith.select %eq3A_216, %broadcast_in_dim3A_219, %broadcast_in_dim3A_220 : vector<800x256xi1>, vector<800x256xbf16>
    %dot_general3A_222 = arith.constant dense<0.000000e+00> : vector<800x192xf32>
    %dot_general3A_223 = tpu.matmul %select_n3A_221, %convert_element_type3A, %dot_general3A_222 {dimension_numbers = #tpu.dot_dimension_numbers<[1], [0], [0], [1], [0, 0, 1, 1], [], []>, transpose_lhs_hint = false} : vector<800x256xbf16>, vector<256x192xbf16>, vector<800x192xf32> -> vector<800x192xf32>
    %slice3A_224 = vector.extract_strided_slice %dot_general3A_223 {offsets = [0, 0], sizes = [799, 64], strides = [1, 1]} : vector<800x192xf32> to vector<799x64xf32>
    %concatenate3A_225 = tpu.concatenate %broadcast_in_dim3A_29, %slice3A_224 in 0 : vector<1x64xf32>, vector<799x64xf32> -> vector<800x64xf32>
    %slice3A_226 = vector.extract_strided_slice %dot_general3A_223 {offsets = [0, 64], sizes = [800, 64], strides = [1, 1]} : vector<800x192xf32> to vector<800x64xf32>
    %add3A_227 = arith.addf %concatenate3A_225, %slice3A_226 : vector<800x64xf32>
    %slice3A_228 = vector.extract_strided_slice %dot_general3A_223 {offsets = [1, 128], sizes = [799, 64], strides = [1, 1]} : vector<800x192xf32> to vector<799x64xf32>
    %concatenate3A_229 = tpu.concatenate %slice3A_228, %broadcast_in_dim3A_29 in 0 : vector<799x64xf32>, vector<1x64xf32> -> vector<800x64xf32>
    %add3A_230 = arith.addf %add3A_227, %concatenate3A_229 : vector<800x64xf32>
    %max3A_231 = arith.constant 0.000000e+00 : f32
    %max3A_232 = vector.broadcast %max3A_231 : f32 to vector<800x64xf32>
    %max3A_233 = arith.maximumf %add3A_230, %max3A_232 : vector<800x64xf32>
    %reshape3A_234 = vector.shape_cast %max3A_233 : vector<800x64xf32> to vector<50x16x64xf32>
    %slice3A_235 = vector.extract_strided_slice %reshape3A_234 {offsets = [0, 0, 0], sizes = [50, 8, 64], strides = [1, 1, 1]} : vector<50x16x64xf32> to vector<50x8x64xf32>
    %slice3A_236 = vector.extract_strided_slice %reshape3A_234 {offsets = [0, 8, 0], sizes = [50, 8, 64], strides = [1, 1, 1]} : vector<50x16x64xf32> to vector<50x8x64xf32>
    %max3A_237 = arith.maximumf %slice3A_235, %slice3A_236 : vector<50x8x64xf32>
    %slice3A_238 = vector.extract_strided_slice %max3A_237 {offsets = [0, 0, 0], sizes = [50, 4, 64], strides = [1, 1, 1]} : vector<50x8x64xf32> to vector<50x4x64xf32>
    %slice3A_239 = vector.extract_strided_slice %max3A_237 {offsets = [0, 4, 0], sizes = [50, 4, 64], strides = [1, 1, 1]} : vector<50x8x64xf32> to vector<50x4x64xf32>
    %max3A_240 = arith.maximumf %slice3A_238, %slice3A_239 : vector<50x4x64xf32>
    %slice3A_241 = vector.extract_strided_slice %max3A_240 {offsets = [0, 0, 0], sizes = [50, 2, 64], strides = [1, 1, 1]} : vector<50x4x64xf32> to vector<50x2x64xf32>
    %slice3A_242 = vector.extract_strided_slice %max3A_240 {offsets = [0, 2, 0], sizes = [50, 2, 64], strides = [1, 1, 1]} : vector<50x4x64xf32> to vector<50x2x64xf32>
    %max3A_243 = arith.maximumf %slice3A_241, %slice3A_242 : vector<50x2x64xf32>
    %slice3A_244 = vector.extract_strided_slice %max3A_243 {offsets = [0, 0, 0], sizes = [50, 1, 64], strides = [1, 1, 1]} : vector<50x2x64xf32> to vector<50x1x64xf32>
    %slice3A_245 = vector.extract_strided_slice %max3A_243 {offsets = [0, 1, 0], sizes = [50, 1, 64], strides = [1, 1, 1]} : vector<50x2x64xf32> to vector<50x1x64xf32>
    %max3A_246 = arith.maximumf %slice3A_244, %slice3A_245 : vector<50x1x64xf32>
    %reshape3A_247 = vector.shape_cast %max3A_246 : vector<50x1x64xf32> to vector<50x64xf32>
    %swap3A_248 = arith.constant 250 : index
    %swap3A_249 = arith.constant 0 : index
    %swap3A_250 = vector.load %arg5[%swap3A_248, %swap3A_249] : memref<400x64xf32, #tpu.memory_space<vmem>>, vector<50x64xf32>
    tpu.vector_store %arg5[%swap3A_248, %swap3A_249], %reshape3A_247 {strides = array<i32>} : memref<400x64xf32, #tpu.memory_space<vmem>>, vector<50x64xf32>,
    %slice3A_251 = vector.extract_strided_slice %transpose3A {offsets = [0, 6], sizes = [800, 1], strides = [1, 1]} : vector<800x8xi32> to vector<800x1xi32>
    %convert_element_type3A_252 = arith.trunci %slice3A_251 : vector<800x1xi32> to vector<800x1xi16>
    %eq3A_253 = vector.broadcast %convert_element_type3A_252 : vector<800x1xi16> to vector<800x256xi16>
    %eq3A_254 = arith.cmpi eq, %eq3A_253, %iota3A : vector<800x256xi16>
    %jit3A_255 = arith.constant 1.000000e+00 : bf16
    %jit3A_256 = arith.constant 0.000000e+00 : bf16
    %broadcast_in_dim3A_257 = vector.broadcast %jit3A_255 : bf16 to vector<800x256xbf16>
    %broadcast_in_dim3A_258 = vector.broadcast %jit3A_256 : bf16 to vector<800x256xbf16>
    %select_n3A_259 = arith.select %eq3A_254, %broadcast_in_dim3A_257, %broadcast_in_dim3A_258 : vector<800x256xi1>, vector<800x256xbf16>
    %dot_general3A_260 = arith.constant dense<0.000000e+00> : vector<800x192xf32>
    %dot_general3A_261 = tpu.matmul %select_n3A_259, %convert_element_type3A, %dot_general3A_260 {dimension_numbers = #tpu.dot_dimension_numbers<[1], [0], [0], [1], [0, 0, 1, 1], [], []>, transpose_lhs_hint = false} : vector<800x256xbf16>, vector<256x192xbf16>, vector<800x192xf32> -> vector<800x192xf32>
    %slice3A_262 = vector.extract_strided_slice %dot_general3A_261 {offsets = [0, 0], sizes = [799, 64], strides = [1, 1]} : vector<800x192xf32> to vector<799x64xf32>
    %concatenate3A_263 = tpu.concatenate %broadcast_in_dim3A_29, %slice3A_262 in 0 : vector<1x64xf32>, vector<799x64xf32> -> vector<800x64xf32>
    %slice3A_264 = vector.extract_strided_slice %dot_general3A_261 {offsets = [0, 64], sizes = [800, 64], strides = [1, 1]} : vector<800x192xf32> to vector<800x64xf32>
    %add3A_265 = arith.addf %concatenate3A_263, %slice3A_264 : vector<800x64xf32>
    %slice3A_266 = vector.extract_strided_slice %dot_general3A_261 {offsets = [1, 128], sizes = [799, 64], strides = [1, 1]} : vector<800x192xf32> to vector<799x64xf32>
    %concatenate3A_267 = tpu.concatenate %slice3A_266, %broadcast_in_dim3A_29 in 0 : vector<799x64xf32>, vector<1x64xf32> -> vector<800x64xf32>
    %add3A_268 = arith.addf %add3A_265, %concatenate3A_267 : vector<800x64xf32>
    %max3A_269 = arith.constant 0.000000e+00 : f32
    %max3A_270 = vector.broadcast %max3A_269 : f32 to vector<800x64xf32>
    %max3A_271 = arith.maximumf %add3A_268, %max3A_270 : vector<800x64xf32>
    %reshape3A_272 = vector.shape_cast %max3A_271 : vector<800x64xf32> to vector<50x16x64xf32>
    %slice3A_273 = vector.extract_strided_slice %reshape3A_272 {offsets = [0, 0, 0], sizes = [50, 8, 64], strides = [1, 1, 1]} : vector<50x16x64xf32> to vector<50x8x64xf32>
    %slice3A_274 = vector.extract_strided_slice %reshape3A_272 {offsets = [0, 8, 0], sizes = [50, 8, 64], strides = [1, 1, 1]} : vector<50x16x64xf32> to vector<50x8x64xf32>
    %max3A_275 = arith.maximumf %slice3A_273, %slice3A_274 : vector<50x8x64xf32>
    %slice3A_276 = vector.extract_strided_slice %max3A_275 {offsets = [0, 0, 0], sizes = [50, 4, 64], strides = [1, 1, 1]} : vector<50x8x64xf32> to vector<50x4x64xf32>
    %slice3A_277 = vector.extract_strided_slice %max3A_275 {offsets = [0, 4, 0], sizes = [50, 4, 64], strides = [1, 1, 1]} : vector<50x8x64xf32> to vector<50x4x64xf32>
    %max3A_278 = arith.maximumf %slice3A_276, %slice3A_277 : vector<50x4x64xf32>
    %slice3A_279 = vector.extract_strided_slice %max3A_278 {offsets = [0, 0, 0], sizes = [50, 2, 64], strides = [1, 1, 1]} : vector<50x4x64xf32> to vector<50x2x64xf32>
    %slice3A_280 = vector.extract_strided_slice %max3A_278 {offsets = [0, 2, 0], sizes = [50, 2, 64], strides = [1, 1, 1]} : vector<50x4x64xf32> to vector<50x2x64xf32>
    %max3A_281 = arith.maximumf %slice3A_279, %slice3A_280 : vector<50x2x64xf32>
    %slice3A_282 = vector.extract_strided_slice %max3A_281 {offsets = [0, 0, 0], sizes = [50, 1, 64], strides = [1, 1, 1]} : vector<50x2x64xf32> to vector<50x1x64xf32>
    %slice3A_283 = vector.extract_strided_slice %max3A_281 {offsets = [0, 1, 0], sizes = [50, 1, 64], strides = [1, 1, 1]} : vector<50x2x64xf32> to vector<50x1x64xf32>
    %max3A_284 = arith.maximumf %slice3A_282, %slice3A_283 : vector<50x1x64xf32>
    %reshape3A_285 = vector.shape_cast %max3A_284 : vector<50x1x64xf32> to vector<50x64xf32>
    %swap3A_286 = arith.constant 300 : index
    %swap3A_287 = arith.constant 0 : index
    %swap3A_288 = vector.load %arg5[%swap3A_286, %swap3A_287] : memref<400x64xf32, #tpu.memory_space<vmem>>, vector<50x64xf32>
    tpu.vector_store %arg5[%swap3A_286, %swap3A_287], %reshape3A_285 {strides = array<i32>} : memref<400x64xf32, #tpu.memory_space<vmem>>, vector<50x64xf32>,
    %slice3A_289 = vector.extract_strided_slice %transpose3A {offsets = [0, 7], sizes = [800, 1], strides = [1, 1]} : vector<800x8xi32> to vector<800x1xi32>
    %convert_element_type3A_290 = arith.trunci %slice3A_289 : vector<800x1xi32> to vector<800x1xi16>
    %eq3A_291 = vector.broadcast %convert_element_type3A_290 : vector<800x1xi16> to vector<800x256xi16>
    %eq3A_292 = arith.cmpi eq, %eq3A_291, %iota3A : vector<800x256xi16>
    %jit3A_293 = arith.constant 1.000000e+00 : bf16
    %jit3A_294 = arith.constant 0.000000e+00 : bf16
    %broadcast_in_dim3A_295 = vector.broadcast %jit3A_293 : bf16 to vector<800x256xbf16>
    %broadcast_in_dim3A_296 = vector.broadcast %jit3A_294 : bf16 to vector<800x256xbf16>
    %select_n3A_297 = arith.select %eq3A_292, %broadcast_in_dim3A_295, %broadcast_in_dim3A_296 : vector<800x256xi1>, vector<800x256xbf16>
    %dot_general3A_298 = arith.constant dense<0.000000e+00> : vector<800x192xf32>
    %dot_general3A_299 = tpu.matmul %select_n3A_297, %convert_element_type3A, %dot_general3A_298 {dimension_numbers = #tpu.dot_dimension_numbers<[1], [0], [0], [1], [0, 0, 1, 1], [], []>, transpose_lhs_hint = false} : vector<800x256xbf16>, vector<256x192xbf16>, vector<800x192xf32> -> vector<800x192xf32>
    %slice3A_300 = vector.extract_strided_slice %dot_general3A_299 {offsets = [0, 0], sizes = [799, 64], strides = [1, 1]} : vector<800x192xf32> to vector<799x64xf32>
    %concatenate3A_301 = tpu.concatenate %broadcast_in_dim3A_29, %slice3A_300 in 0 : vector<1x64xf32>, vector<799x64xf32> -> vector<800x64xf32>
    %slice3A_302 = vector.extract_strided_slice %dot_general3A_299 {offsets = [0, 64], sizes = [800, 64], strides = [1, 1]} : vector<800x192xf32> to vector<800x64xf32>
    %add3A_303 = arith.addf %concatenate3A_301, %slice3A_302 : vector<800x64xf32>
    %slice3A_304 = vector.extract_strided_slice %dot_general3A_299 {offsets = [1, 128], sizes = [799, 64], strides = [1, 1]} : vector<800x192xf32> to vector<799x64xf32>
    %concatenate3A_305 = tpu.concatenate %slice3A_304, %broadcast_in_dim3A_29 in 0 : vector<799x64xf32>, vector<1x64xf32> -> vector<800x64xf32>
    %add3A_306 = arith.addf %add3A_303, %concatenate3A_305 : vector<800x64xf32>
    %max3A_307 = arith.constant 0.000000e+00 : f32
    %max3A_308 = vector.broadcast %max3A_307 : f32 to vector<800x64xf32>
    %max3A_309 = arith.maximumf %add3A_306, %max3A_308 : vector<800x64xf32>
    %reshape3A_310 = vector.shape_cast %max3A_309 : vector<800x64xf32> to vector<50x16x64xf32>
    %slice3A_311 = vector.extract_strided_slice %reshape3A_310 {offsets = [0, 0, 0], sizes = [50, 8, 64], strides = [1, 1, 1]} : vector<50x16x64xf32> to vector<50x8x64xf32>
    %slice3A_312 = vector.extract_strided_slice %reshape3A_310 {offsets = [0, 8, 0], sizes = [50, 8, 64], strides = [1, 1, 1]} : vector<50x16x64xf32> to vector<50x8x64xf32>
    %max3A_313 = arith.maximumf %slice3A_311, %slice3A_312 : vector<50x8x64xf32>
    %slice3A_314 = vector.extract_strided_slice %max3A_313 {offsets = [0, 0, 0], sizes = [50, 4, 64], strides = [1, 1, 1]} : vector<50x8x64xf32> to vector<50x4x64xf32>
    %slice3A_315 = vector.extract_strided_slice %max3A_313 {offsets = [0, 4, 0], sizes = [50, 4, 64], strides = [1, 1, 1]} : vector<50x8x64xf32> to vector<50x4x64xf32>
    %max3A_316 = arith.maximumf %slice3A_314, %slice3A_315 : vector<50x4x64xf32>
    %slice3A_317 = vector.extract_strided_slice %max3A_316 {offsets = [0, 0, 0], sizes = [50, 2, 64], strides = [1, 1, 1]} : vector<50x4x64xf32> to vector<50x2x64xf32>
    %slice3A_318 = vector.extract_strided_slice %max3A_316 {offsets = [0, 2, 0], sizes = [50, 2, 64], strides = [1, 1, 1]} : vector<50x4x64xf32> to vector<50x2x64xf32>
    %max3A_319 = arith.maximumf %slice3A_317, %slice3A_318 : vector<50x2x64xf32>
    %slice3A_320 = vector.extract_strided_slice %max3A_319 {offsets = [0, 0, 0], sizes = [50, 1, 64], strides = [1, 1, 1]} : vector<50x2x64xf32> to vector<50x1x64xf32>
    %slice3A_321 = vector.extract_strided_slice %max3A_319 {offsets = [0, 1, 0], sizes = [50, 1, 64], strides = [1, 1, 1]} : vector<50x2x64xf32> to vector<50x1x64xf32>
    %max3A_322 = arith.maximumf %slice3A_320, %slice3A_321 : vector<50x1x64xf32>
    %reshape3A_323 = vector.shape_cast %max3A_322 : vector<50x1x64xf32> to vector<50x64xf32>
    %swap3A_324 = arith.constant 350 : index
    %swap3A_325 = arith.constant 0 : index
    %swap3A_326 = vector.load %arg5[%swap3A_324, %swap3A_325] : memref<400x64xf32, #tpu.memory_space<vmem>>, vector<50x64xf32>
    tpu.vector_store %arg5[%swap3A_324, %swap3A_325], %reshape3A_323 {strides = array<i32>} : memref<400x64xf32, #tpu.memory_space<vmem>>, vector<50x64xf32>,
    return
  }
  func.func @transform_0(%arg0: i32) -> (i32, i32) {
    %c0_i32 = arith.constant 0 : i32
    %c0_i32_0 = arith.constant 0 : i32
    return %arg0, %c0_i32 : i32, i32
  }
  func.func @transform_1(%arg0: i32) -> (i32, i32) {
    %c0_i32 = arith.constant 0 : i32
    %c0_i32_0 = arith.constant 0 : i32
    %c0_i32_1 = arith.constant 0 : i32
    return %c0_i32, %c0_i32_0 : i32, i32
  }
  func.func @transform_2(%arg0: i32) -> (i32, i32, i32) {
    %c0_i32 = arith.constant 0 : i32
    %c0_i32_0 = arith.constant 0 : i32
    %c0_i32_1 = arith.constant 0 : i32
    %c0_i32_2 = arith.constant 0 : i32
    return %c0_i32, %c0_i32_0, %c0_i32_1 : i32, i32, i32
  }
  func.func @transform_3(%arg0: i32) -> (i32, i32) {
    %c0_i32 = arith.constant 0 : i32
    %c0_i32_0 = arith.constant 0 : i32
    %c0_i32_1 = arith.constant 0 : i32
    return %c0_i32, %c0_i32_0 : i32, i32
  }
  func.func @transform_4(%arg0: i32) -> (i32, i32) {
    %c0_i32 = arith.constant 0 : i32
    %c0_i32_0 = arith.constant 0 : i32
    return %arg0, %c0_i32 : i32, i32
  }
}

module attributes {stable_mosaic.version = 14 : i64} {
  func.func @_fuse_body(%arg0: i32, %arg1: memref<3200x64xf32, #tpu.memory_space<vmem>>, %arg2: memref<3200x128xf32, #tpu.memory_space<vmem>>, %arg3: memref<128x64xf32, #tpu.memory_space<vmem>>, %arg4: memref<128x256xf32, #tpu.memory_space<vmem>>, %arg5: memref<1x256xf32, #tpu.memory_space<vmem>>, %arg6: memref<128x256xf32, #tpu.memory_space<vmem>>, %arg7: memref<1x256xf32, #tpu.memory_space<vmem>>, %arg8: memref<3200x128xf32, #tpu.memory_space<vmem>>) attributes {dimension_semantics = [#tpu.dimension_semantics<arbitrary>], iteration_bounds = array<i64: 16>, scalar_prefetch = 0 : i64, scratch_operands = 0 : i64, tpu.core_type = #tpu.core_type<tc>, window_params = [{transform_indices = @transform_0, window_bounds = array<i64: 3200, 64>}, {transform_indices = @transform_1, window_bounds = array<i64: 3200, 128>}, {pipeline_mode = #tpu.pipeline_mode<synchronous>, transform_indices = @transform_2, window_bounds = array<i64: 128, 64>}, {pipeline_mode = #tpu.pipeline_mode<synchronous>, transform_indices = @transform_3, window_bounds = array<i64: 128, 256>}, {pipeline_mode = #tpu.pipeline_mode<synchronous>, transform_indices = @transform_4, window_bounds = array<i64: 1, 256>}, {pipeline_mode = #tpu.pipeline_mode<synchronous>, transform_indices = @transform_5, window_bounds = array<i64: 128, 256>}, {pipeline_mode = #tpu.pipeline_mode<synchronous>, transform_indices = @transform_6, window_bounds = array<i64: 1, 256>}, {transform_indices = @transform_7, window_bounds = array<i64: 3200, 128>}]} {
    %get3A = arith.constant 0 : index
    %get3A_0 = arith.constant 0 : index
    %get3A_1 = vector.load %arg2[%get3A, %get3A_0] : memref<3200x128xf32, #tpu.memory_space<vmem>>, vector<3200x128xf32>
    %get3A_2 = arith.constant 0 : index
    %get3A_3 = arith.constant 0 : index
    %get3A_4 = vector.load %arg3[%get3A_2, %get3A_3] : memref<128x64xf32, #tpu.memory_space<vmem>>, vector<128x64xf32>
    %dot_general3A = arith.constant dense<0.000000e+00> : vector<3200x64xf32>
    %dot_general3A_5 = tpu.matmul %get3A_1, %get3A_4, %dot_general3A {dimension_numbers = #tpu.dot_dimension_numbers<[1], [0], [0], [1], [0, 0, 1, 1], [], []>, transpose_lhs_hint = false} : vector<3200x128xf32>, vector<128x64xf32>, vector<3200x64xf32> -> vector<3200x64xf32>
    %get3A_6 = arith.constant 0 : index
    %get3A_7 = arith.constant 0 : index
    %get3A_8 = vector.load %arg1[%get3A_6, %get3A_7] : memref<3200x64xf32, #tpu.memory_space<vmem>>, vector<3200x64xf32>
    %concatenate3A = tpu.concatenate %dot_general3A_5, %get3A_8 in 1 : vector<3200x64xf32>, vector<3200x64xf32> -> vector<3200x128xf32>
    %get3A_9 = arith.constant 0 : index
    %get3A_10 = arith.constant 0 : index
    %get3A_11 = vector.load %arg4[%get3A_9, %get3A_10] : memref<128x256xf32, #tpu.memory_space<vmem>>, vector<128x256xf32>
    %dot_general3A_12 = arith.constant dense<0.000000e+00> : vector<3200x256xf32>
    %dot_general3A_13 = tpu.matmul %concatenate3A, %get3A_11, %dot_general3A_12 {dimension_numbers = #tpu.dot_dimension_numbers<[1], [0], [0], [1], [0, 0, 1, 1], [], []>, transpose_lhs_hint = false} : vector<3200x128xf32>, vector<128x256xf32>, vector<3200x256xf32> -> vector<3200x256xf32>
    %get3A_14 = arith.constant 0 : index
    %get3A_15 = arith.constant 0 : index
    %get3A_16 = vector.load %arg5[%get3A_14, %get3A_15] : memref<1x256xf32, #tpu.memory_space<vmem>>, vector<1x256xf32>
    %add3A = vector.broadcast %get3A_16 : vector<1x256xf32> to vector<3200x256xf32>
    %add3A_17 = arith.addf %dot_general3A_13, %add3A : vector<3200x256xf32>
    %slice3A = vector.extract_strided_slice %add3A_17 {offsets = [0, 0], sizes = [3200, 128], strides = [1, 1]} : vector<3200x256xf32> to vector<3200x128xf32>
    %neg3A = arith.constant 0.000000e+00 : f32
    %neg3A_18 = vector.broadcast %neg3A : f32 to vector<3200x128xf32>
    %neg3A_19 = arith.subf %neg3A_18, %slice3A : vector<3200x128xf32>
    %exp3A = math.exp %neg3A_19 : vector<3200x128xf32>
    %add3A_20 = arith.constant 1.000000e+00 : f32
    %add3A_21 = vector.broadcast %add3A_20 : f32 to vector<3200x128xf32>
    %add3A_22 = arith.addf %add3A_21, %exp3A : vector<3200x128xf32>
    %div3A = arith.constant 1.000000e+00 : f32
    %div3A_23 = vector.broadcast %div3A : f32 to vector<3200x128xf32>
    %div3A_24 = arith.divf %div3A_23, %add3A_22 : vector<3200x128xf32>
    %slice3A_25 = vector.extract_strided_slice %add3A_17 {offsets = [0, 128], sizes = [3200, 128], strides = [1, 1]} : vector<3200x256xf32> to vector<3200x128xf32>
    %max3A = arith.constant 0.000000e+00 : f32
    %max3A_26 = vector.broadcast %max3A : f32 to vector<3200x128xf32>
    %max3A_27 = arith.maximumf %slice3A_25, %max3A_26 : vector<3200x128xf32>
    %mul3A = arith.mulf %div3A_24, %max3A_27 : vector<3200x128xf32>
    %sub3A = arith.constant 1.000000e+00 : f32
    %sub3A_28 = vector.broadcast %sub3A : f32 to vector<3200x128xf32>
    %sub3A_29 = arith.subf %sub3A_28, %div3A_24 : vector<3200x128xf32>
    %mul3A_30 = arith.mulf %sub3A_29, %concatenate3A : vector<3200x128xf32>
    %add3A_31 = arith.addf %mul3A, %mul3A_30 : vector<3200x128xf32>
    %get3A_32 = arith.constant 0 : index
    %get3A_33 = arith.constant 0 : index
    %get3A_34 = vector.load %arg6[%get3A_32, %get3A_33] : memref<128x256xf32, #tpu.memory_space<vmem>>, vector<128x256xf32>
    %dot_general3A_35 = arith.constant dense<0.000000e+00> : vector<3200x256xf32>
    %dot_general3A_36 = tpu.matmul %add3A_31, %get3A_34, %dot_general3A_35 {dimension_numbers = #tpu.dot_dimension_numbers<[1], [0], [0], [1], [0, 0, 1, 1], [], []>, transpose_lhs_hint = false} : vector<3200x128xf32>, vector<128x256xf32>, vector<3200x256xf32> -> vector<3200x256xf32>
    %get3A_37 = arith.constant 0 : index
    %get3A_38 = arith.constant 0 : index
    %get3A_39 = vector.load %arg7[%get3A_37, %get3A_38] : memref<1x256xf32, #tpu.memory_space<vmem>>, vector<1x256xf32>
    %add3A_40 = vector.broadcast %get3A_39 : vector<1x256xf32> to vector<3200x256xf32>
    %add3A_41 = arith.addf %dot_general3A_36, %add3A_40 : vector<3200x256xf32>
    %slice3A_42 = vector.extract_strided_slice %add3A_41 {offsets = [0, 0], sizes = [3200, 128], strides = [1, 1]} : vector<3200x256xf32> to vector<3200x128xf32>
    %neg3A_43 = arith.constant 0.000000e+00 : f32
    %neg3A_44 = vector.broadcast %neg3A_43 : f32 to vector<3200x128xf32>
    %neg3A_45 = arith.subf %neg3A_44, %slice3A_42 : vector<3200x128xf32>
    %exp3A_46 = math.exp %neg3A_45 : vector<3200x128xf32>
    %add3A_47 = arith.constant 1.000000e+00 : f32
    %add3A_48 = vector.broadcast %add3A_47 : f32 to vector<3200x128xf32>
    %add3A_49 = arith.addf %add3A_48, %exp3A_46 : vector<3200x128xf32>
    %div3A_50 = arith.constant 1.000000e+00 : f32
    %div3A_51 = vector.broadcast %div3A_50 : f32 to vector<3200x128xf32>
    %div3A_52 = arith.divf %div3A_51, %add3A_49 : vector<3200x128xf32>
    %slice3A_53 = vector.extract_strided_slice %add3A_41 {offsets = [0, 128], sizes = [3200, 128], strides = [1, 1]} : vector<3200x256xf32> to vector<3200x128xf32>
    %max3A_54 = arith.constant 0.000000e+00 : f32
    %max3A_55 = vector.broadcast %max3A_54 : f32 to vector<3200x128xf32>
    %max3A_56 = arith.maximumf %slice3A_53, %max3A_55 : vector<3200x128xf32>
    %mul3A_57 = arith.mulf %div3A_52, %max3A_56 : vector<3200x128xf32>
    %sub3A_58 = arith.constant 1.000000e+00 : f32
    %sub3A_59 = vector.broadcast %sub3A_58 : f32 to vector<3200x128xf32>
    %sub3A_60 = arith.subf %sub3A_59, %div3A_52 : vector<3200x128xf32>
    %mul3A_61 = arith.mulf %sub3A_60, %add3A_31 : vector<3200x128xf32>
    %add3A_62 = arith.addf %mul3A_57, %mul3A_61 : vector<3200x128xf32>
    %swap3A = arith.constant 0 : index
    %swap3A_63 = arith.constant 0 : index
    %swap3A_64 = vector.load %arg8[%swap3A, %swap3A_63] : memref<3200x128xf32, #tpu.memory_space<vmem>>, vector<3200x128xf32>
    tpu.vector_store %arg8[%swap3A, %swap3A_63], %add3A_62 {strides = array<i32>} : memref<3200x128xf32, #tpu.memory_space<vmem>>, vector<3200x128xf32>,
    return
  }
  func.func @transform_0(%arg0: i32) -> (i32, i32) {
    %c0_i32 = arith.constant 0 : i32
    %c0_i32_0 = arith.constant 0 : i32
    return %arg0, %c0_i32 : i32, i32
  }
  func.func @transform_1(%arg0: i32) -> (i32, i32) {
    %c0_i32 = arith.constant 0 : i32
    %c0_i32_0 = arith.constant 0 : i32
    return %arg0, %c0_i32 : i32, i32
  }
  func.func @transform_2(%arg0: i32) -> (i32, i32) {
    %c0_i32 = arith.constant 0 : i32
    %c0_i32_0 = arith.constant 0 : i32
    %c0_i32_1 = arith.constant 0 : i32
    return %c0_i32, %c0_i32_0 : i32, i32
  }
  func.func @transform_3(%arg0: i32) -> (i32, i32) {
    %c0_i32 = arith.constant 0 : i32
    %c0_i32_0 = arith.constant 0 : i32
    %c0_i32_1 = arith.constant 0 : i32
    return %c0_i32, %c0_i32_0 : i32, i32
  }
  func.func @transform_4(%arg0: i32) -> (i32, i32) {
    %c0_i32 = arith.constant 0 : i32
    %c0_i32_0 = arith.constant 0 : i32
    %c0_i32_1 = arith.constant 0 : i32
    return %c0_i32, %c0_i32_0 : i32, i32
  }
  func.func @transform_5(%arg0: i32) -> (i32, i32) {
    %c0_i32 = arith.constant 0 : i32
    %c0_i32_0 = arith.constant 0 : i32
    %c0_i32_1 = arith.constant 0 : i32
    return %c0_i32, %c0_i32_0 : i32, i32
  }
  func.func @transform_6(%arg0: i32) -> (i32, i32) {
    %c0_i32 = arith.constant 0 : i32
    %c0_i32_0 = arith.constant 0 : i32
    %c0_i32_1 = arith.constant 0 : i32
    return %c0_i32, %c0_i32_0 : i32, i32
  }
  func.func @transform_7(%arg0: i32) -> (i32, i32) {
    %c0_i32 = arith.constant 0 : i32
    %c0_i32_0 = arith.constant 0 : i32
    return %arg0, %c0_i32 : i32, i32
  }
}

</mosaic_0001>

<sc_bundles>
// kernel: kernel.5.cloned.1.call-start
scs
__scs_entry_jumppad:
0x0: {  	(pc) =	sbr.rel $0x88, $3  }
0x1: {  	(tag) =	ssettag $0x0;
	lr =	simm.s32 $0x1  }
0x2: {  	[smem:$0x3F92] =	sst lr;
	_ =	strace $0xD0000000  }
0x3: {  	_ = 	snop  }
0x4: {  	_ = 	snop  }
0x5: {  	_ = 	snop  }
0x6: {  	_ = 	snop  }
0x7: {  	_ = 	snop  }
__scs_overlays_trampoline_lowered:
0x8: {  	[smem:$0x3FA1] =	sst s0  }
0x9: {  	[smem:$0x3FA2] =	sst s1  }
0xa: {  	[smem:$0x3FA3] =	sst s2  }
0xb: {  	[smem:$0x3FA4] =	sst s3  }
0xc: {  	[smem:$0x3FA5] =	sst s4  }
0xd: {  	[smem:$0x3FA6] =	sst s5  }
0xe: {  	[smem:$0x3FA7] =	sst s6  }
0xf: {  	[smem:$0x3FA8] =	sst s7  }
0x10: {  	[smem:$0x3FA9] =	sst s8  }
0x11: {  	[smem:$0x3FAA] =	sst s9;
	s0 =	simm.s32 @!p0 $0x0  }
0x12: {  	s1 =	sld [smem:$0x3F90];
	s0 =	simm.s32 @p0 $0x1  }
0x13: {  	[smem:$0x3FAB] =	sst s0;
	s0 =	simm.s32 @!p1 $0x0  }
0x14: {  	s2 =	sld [smem:$0x3F8F];
	s0 =	simm.s32 @p1 $0x1  }
0x15: {  	[smem:$0x3FAC] =	sst s0;
	s0 =	simm.s32 @!p2 $0x0  }
0x16: {  	s3 =	sld [smem:$0x3FDB];
	s0 =	simm.s32 @p2 $0x1  }
0x17: {  	s4 =	simm.s32 $0x1BF5;
	[smem:$0x3FAE] =	sst s0  }
0x18: {  	s0 =	sld [smem:$0x3F91];
	_ =	swait.ge [sflag:s4], $0x0  }
0x19: {  	s7 =	sld [smem:$0x3F92]  }
0x1a: {  	s8 =	sadd.s32 $0xFFFFE003, lr  }
0x1b: {  	s9 =	sadd.s32 $0xFFFFFEF7, lr;
	s5 =	simm.s32 $0xFFFFFFFF;
	p2 =	slt.u32 s8, $0xFFFFF086  }
0x1c: {  	p1 =	slt.u32 s9, $0xF7A;
	s5 =	simm.s32 @!p2 $0x0  }
0x1d: {  	s5 =	simm.s32 @p1 $0x1;
	p0 =	seq.s32 s7, s2  }
0x1e: {  	s7 =	smul.u32 @!p0 $0xF7A, s2;
	p2 =	seq.s32 @!p0 s5, $0x0  }
0x1f: {  	s9 =	smul.u32 $0xF7A, s1;
	s8 =	simm.s32 @!p0 $0x1BF5;
	p2 =	por !p2, p0  }
0x20: {  	[sflag:s8] =	ssyncset.s32 @!p0 $0xFFFFF086;
	s6 =	sadd.s32 @!p0 s3, s7;
	s7 =	simm.s32 @!p0 $0x108  }
0x21: {  	s3 =	sadd.s32 s3, s9;
	s6 =	sadd.s32 @!p0 $0x88, s6;
	s7 =	simm.s32 @p2 $0x1082  }
0x22: {  	[simem:s7], [sflag:s8] =	dma.local @!p0 [hbm:s6], $0xF7A  }
0x23: {  	s9 =	sor.u32 $0xD0000000, s2;
	s6 =	simm.s32 $0x108;
	_ =	swait.ge @!p0 [sflag:s8], $0x0  }
0x24: {  	s3 =	sadd.s32 $0x88, s3;
	s6 =	simm.s32 @!p1 $0x1082;
	[sflag:s4] =	ssyncset.s32 $0xFFFFF086  }
0x25: {  	[simem:s6], [sflag:s4] =	dma.local [hbm:s3], $0xF7A  }
0x26: {  	[smem:$0x3F92] =	sst s1;
	(tag) =	ssettag s2;
	_ =	strace s9  }
0x27: {  	s1 =	sld [smem:$0x3FA2]  }
0x28: {  	s2 =	sld [smem:$0x3FA3]  }
0x29: {  	s4 =	sld [smem:$0x3FA5]  }
0x2a: {  	p0 =	seq.s32 s5, $0x0;
	s5 =	sld [smem:$0x3FA6]  }
0x2b: {  	s6 =	sld [smem:$0x3FA7]  }
0x2c: {  	s7 =	sld [smem:$0x3FA8]  }
0x2d: {  	s3 =	simm.s32 $0x108;
	s8 =	sld [smem:$0x3FA9]  }
0x2e: {  	s3 =	simm.s32 @!p0 $0x1082;
	s9 =	sld [smem:$0x3FAA]  }
0x2f: {  	lr =	sadd.s32 s0, s3;
	s0 =	sld [smem:$0x3FA1]  }
0x30: {  	s3 =	sld [smem:$0x3FA4]  }
0x31: {  	[smem:$0x3FAD] =	sst s10  }
0x32: {  	s10 =	sld [smem:$0x3FAB];
	_ =	sdelay $0x3  }
0x33: {  	p0 =	seq.s32 s10, $0x1;
	s10 =	sld [smem:$0x3FAD];
	_ =	sdelay $0x3  }
0x34: {  	[smem:$0x3FAD] =	sst s10  }
0x35: {  	s10 =	sld [smem:$0x3FAC];
	_ =	sdelay $0x3  }
0x36: {  	p1 =	seq.s32 s10, $0x1;
	s10 =	sld [smem:$0x3FAD];
	_ =	sdelay $0x3  }
0x37: {  	[smem:$0x3FAD] =	sst s10  }
0x38: {  	s10 =	sld [smem:$0x3FAE]  }
0x39: {  	_ = 	snop;
	(pc) =	sbr.ind lr, $3  }
0x3a: {  	_ = 	snop  }
0x3b: {  	_ = 	snop  }
0x3c: {  	p2 =	seq.s32 s10, $0x1;
	s10 =	sld [smem:$0x3FAD]  }
0x3d: {  	_ =	shalt  }
0x3e: {  	_ =	shalt  }
0x3f: {  	_ =	shalt  }
0x40: {  	_ =	shalt  }
0x41: {  	_ =	shalt  }
0x42: {  	_ =	shalt  }
0x43: {  	_ =	shalt  }
0x44: {  	_ =	shalt  }
0x45: {  	_ =	shalt  }
0x46: {  	_ =	shalt  }
0x47: {  	_ =	shalt  }
0x48: {  	_ =	shalt  }
0x49: {  	_ =	shalt  }
0x4a: {  	_ =	shalt  }
0x4b: {  	_ =	shalt  }
0x4c: {  	_ =	shalt  }
0x4d: {  	_ =	shalt  }
0x4e: {  	_ =	shalt  }
0x4f: {  	_ =	shalt  }
0x50: {  	_ =	shalt  }
0x51: {  	_ =	shalt  }
0x52: {  	_ =	shalt  }
0x53: {  	_ =	shalt  }
0x54: {  	_ =	shalt  }
0x55: {  	_ =	shalt  }
0x56: {  	_ =	shalt  }
0x57: {  	_ =	shalt  }
0x58: {  	_ =	shalt  }
0x59: {  	_ =	shalt  }
0x5a: {  	_ =	shalt  }
0x5b: {  	_ =	shalt  }
0x5c: {  	_ =	shalt  }
0x5d: {  	_ =	shalt  }
0x5e: {  	_ =	shalt  }
0x5f: {  	_ =	shalt  }
0x60: {  	_ =	shalt  }
0x61: {  	_ =	shalt  }
0x62: {  	_ =	shalt  }
0x63: {  	_ =	shalt  }
0x64: {  	_ =	shalt  }
0x65: {  	_ =	shalt  }
0x66: {  	_ =	shalt  }
0x67: {  	_ =	shalt  }
0x68: {  	_ =	shalt  }
0x69: {  	_ =	shalt  }
0x6a: {  	_ =	shalt  }
0x6b: {  	_ =	shalt  }
0x6c: {  	_ =	shalt  }
0x6d: {  	_ =	shalt  }
0x6e: {  	_ =	shalt  }
0x6f: {  	_ =	shalt  }
0x70: {  	_ =	shalt  }
0x71: {  	_ =	shalt  }
0x72: {  	_ =	shalt  }
0x73: {  	_ =	shalt  }
0x74: {  	_ =	shalt  }
0x75: {  	_ =	shalt  }
0x76: {  	_ =	shalt  }
0x77: {  	_ =	shalt  }
0x78: {  	_ =	shalt  }
0x79: {  	_ =	shalt  }
0x7a: {  	_ =	shalt  }
0x7b: {  	_ =	shalt  }
0x7c: {  	_ =	shalt  }
0x7d: {  	_ =	shalt  }
0x7e: {  	_ =	shalt  }
0x7f: {  	_ =	shalt  }
0x80: {  	_ =	shalt  }
0x81: {  	_ =	shalt  }
0x82: {  	_ =	shalt  }
0x83: {  	_ =	shalt  }
0x84: {  	_ =	shalt  }
0x85: {  	_ =	shalt  }
0x86: {  	_ =	shalt  }
0x87: {  	_ =	shalt  }
.Lfunc_end0:
.L_simem_size_0:
called_computation_lowered:
.L_overlay_start_0:
0x88: {  	s2 =	sld [smem:$0x3FD9]  }
0x89: {  	s3 =	sld [smem:$0x3FFE];
	_ =	sdelay $0x1  }
0x8a: {  	s1 =	srdreg.scid  }
0x8b: {  	s0 =	sand.u32 $0x1, s1  }
0x8c: {  	s17 =	sshll.u32 s0, $0xA;
	s2 =	sadd.s32 s3, s2  }
0x8d: {  	s2 =	sadd.s32 s2, s17  }
0x8e: {  	[smem:$0x3FB9] =	sst s2  }
0x8f: {  	_ = 	snop  }
0x90: {  	s2 =	sld [smem:$0x3FC7];
	(tm) =	ssettm $0x1  }
0x91: {  	s18 =	sld [smem:$0x3FFB];
	_ =	sdelay $0x3  }
0x92: {  	_ =	strace s18  }
0x93: {  	s3 =	sld [smem:$0x3FFC];
	_ =	sdelay $0x3  }
0x94: {  	_ =	strace s3  }
0x95: {  	s3 =	sld [smem:$0x3FFD];
	_ =	sdelay $0x3  }
0x96: {  	_ =	strace s3  }
0x97: {  	_ =	strace $0x8FFFFFFF  }
0x98: {  	s19 =	sld [smem:$0x3FDB];
	_ =	sdelay $0x1  }
0x99: {  	s4 =	simm.s32 $_scs_section_size  }
0x9a: {  	s5 =	simm.s32 $_size__tile_overlayer_lowered;
	s6 =	simm.s32 $_tile_overlayer_lowered  }
0x9b: {  	s22 =	simm.s32 $0x1BFF;
	s21 =	sshll.u32 s6, $0x1;
	s3 =	sadd.s32 s4, s19  }
0x9c: {  	s7 =	simm.s32 $0x0;
	s20 =	sshll.u32 s5, $0x1;
	s5 =	sadd.s32 s21, s3  }
0x9d: {  	[timem:s7], [sflag:s22] =	dma.local [hbm:s5], s20  }
0x9e: {  	_ =	swait.ge [sflag:s22], s20  }
0x9f: {  	s4 =	ssub.s32 $0x0, s20;
	[sflag:s22] =	ssyncset.done $0x0  }
0xa0: {  	[sflag:s22] =	ssyncadd.s32 s4;
	_ =	sdelay $0x1  }
0xa1: {  	s23 =	simm.s32 $0x1B8B  }
0xa2: {  	_ =	swait.ge [sflag:s23], $0x1  }
0xa3: {  	[sflag:s23] =	ssyncset.done $0x0  }
0xa4: {  	s25 =	simm.s32 $0x1B8E;
	s24 =	sld [smem:$0x3FFE];
	[sflag:s23] =	ssyncadd.s32 $0xFFFFFFFF  }
0xa5: {  	s26 =	simm.s32 $execute0_lowered;
	[smem:$0x3FD2] =	sst s25  }
0xa6: {  	s5 =	sshll.u32 s26, $0x1;
	_ =	strace $0x80000046;
	[dreg:$0x1] =	wrdreg $0xFFFFFFFF  }
0xa7: {  	s28 =	simm.s32 $_size_execute0_lowered;
	s3 =	sadd.s32 s3, s5;
	[dreg:$0x0] =	wrdreg $0x0  }
0xa8: {  	s5 =	sshll.u32 s28, $0x1;
	[dreg:$0x2] =	wrdreg s3  }
0xa9: {  	[dreg:$0x3] =	wrdreg s5  }
0xaa: {  	[dreg:$0x4] =	wrdreg $0xC0  }
0xab: {  	_ =	task [dreg:s7], $0x5FFFF  }
0xac: {  	[dreg:$0x1] =	wrdreg $0xFFFFFFFF  }
0xad: {  	[dreg:$0x0] =	wrdreg $0x60  }
0xae: {  	[dreg:$0x2] =	wrdreg s24  }
0xaf: {  	[dreg:$0x3] =	wrdreg s2  }
0xb0: {  	[dreg:$0x4] =	wrdreg $0x9  }
0xb1: {  	_ =	task.clear_ibuf [dreg:s7], $0x5FFFF;
	_ =	strace $0x90000046  }
0xb2: {  	s29 =	simm.s32 $0x9;
	_ =	strace $0x80000048  }
0xb3: {  	_ =	swait.ge [sflag:s29], $0x1  }
0xb4: {  	[sflag:s29] =	ssyncadd.s32 $0xFFFFFFFF  }
0xb5: {  	_ =	strace $0x90000048  }
0xb6: {  	_ =	sfence  }
0xb7: {  	s30 =	sld [smem:$0x0];
	_ =	sdelay $0x2  }
0xb8: {  	s31 =	sshll.u32 s1, $0xD;
	s1 =	sshrl.u32 s1, $0x2  }
0xb9: {  	s3 =	sand.u32 $0x4000, s31;
	s1 =	sadd.s32 s1, s30  }
0xba: {  	s0 =	sor.u32 s3, s0;
	s1 =	sshll.u32 s1, $0x11  }
0xbb: {  	s0 =	sor.u32 s1, s0  }
0xbc: {  	s0 =	sadd.s32 $0x8F2B, s0  }
0xbd: {  	[sflag:s0] =	ssyncadd.remote.s32 $0x1  }
0xbe: {  	_ =	sfence.sel $0xFFFF  }
0xbf: {  	[dreg:$0x0] =	wrdreg $0xFFFFFFFF;
	(pc) =	sbr.abs _section_cstart, $3  }
0xc0: {  	[dreg:$0x1] =	wrdreg $0xFFFFFFFF  }
0xc1: {  	_ =	task.clear_ibuf [dreg:s7], $0x2FFFF;
	_ =	strace $0x9FFFFFFF  }
0xc2: {  	(tm) =	ssettm $0x7FFFFFFF  }
0xc3: {  	_ =	shalt  }
tec
execute0_lowered:
.L_overlay_start_1:
0x0: {  	(tag) =	ssettag $0x1  }
0x1: {  	s0 =	srdreg.scid;
	s2 =	stileid.u32  }
0x2: {  	s0 =	sand.u32 $0x1, s0;
	s2 =	sshll.u32 s2, $0x1  }
0x3: {  	s1 =	rddreg [dreg:$0x0];
	s4 =	sor.u32 s0, s2  }
0x4: {  	s3 =	rddreg [dreg:$0x1];
	s2 =	simm.s32 $0x0;
	s5 =	smul.u32 $0xC8, s4  }
0x5: {  	[smem:$0x7FF] =	sst s2;
	s6 =	smul.u32 $0x32000, s4  }
0x6: {  	s4 =	smul.u32 $0x6400, s4;
	_ =	strace $0x80000047;
	s5 =	sadd.s32 s5, s1  }
0x7: {  	s1 =	sadd.s32 $0x3A00, s1;
	s6 =	sshrl.u32 s6, $0x3;
	s5 =	sadd.s32 $0x2000, s5  }
0x8: {  	s4 =	sadd.s32 s1, s4;
	s1 =	sadd.s32 s1, s6;
	[dreg:$0x3] =	wrdreg s5  }
0x9: {  	s31 =	simm.s32 $0x3;
	[dreg:$0x4] =	wrdreg s4;
	s10 =	sadd.s32 $0x500, s1  }
0xa: {  	s9 =	simm.s32 $0x50;
	s11 =	sadd.s32 $0xA00, s1;
	[dreg:$0x5] =	wrdreg s10  }
0xb: {  	s8 =	simm.s32 $0x1;
	s12 =	sadd.s32 $0xF00, s1;
	[dreg:$0x6] =	wrdreg s11  }
0xc: {  	s7 =	simm.s32 $0x2E80;
	s13 =	sadd.s32 $0x1400, s1;
	[dreg:$0x7] =	wrdreg s12  }
0xd: {  	s30 =	simm.s32 $0xA0;
	s14 =	sadd.s32 $0x1900, s1;
	[dreg:$0x8] =	wrdreg s13  }
0xe: {  	s29 =	simm.s32 $0xF0;
	s15 =	sadd.s32 $0x1E00, s1;
	[dreg:$0x9] =	wrdreg s14  }
0xf: {  	s28 =	simm.s32 $0x140;
	s16 =	sadd.s32 $0x2300, s1;
	[dreg:$0xa] =	wrdreg s15  }
0x10: {  	p0 =	por $0x0, $0x0;
	s17 =	sadd.s32 $0x2800, s1;
	[dreg:$0xb] =	wrdreg s16  }
0x11: {  	s0 =	ssub.s32 $0x2, s0;
	s18 =	sadd.s32 $0x2D00, s1;
	[dreg:$0xc] =	wrdreg s17  }
0x12: {  	s24 =	sshrl.u32 s0, $0x1;
	s19 =	sadd.s32 $0x3200, s1;
	[dreg:$0xd] =	wrdreg s18  }
0x13: {  	s0 =	ssub.s32 s0, s24;
	s20 =	sadd.s32 $0x3700, s1;
	[dreg:$0xe] =	wrdreg s19  }
0x14: {  	s24 =	simm.s32 $0x230;
	s21 =	sadd.s32 $0x3C00, s1;
	[dreg:$0xf] =	wrdreg s20  }
0x15: {  	s0 =	smax.u32 s0, $0x1;
	s22 =	sadd.s32 $0x4100, s1;
	[dreg:$0x10] =	wrdreg s21  }
0x16: {  	p1 =	sne.s32 s0, $0x1;
	s23 =	sadd.s32 $0x4600, s1;
	[dreg:$0x11] =	wrdreg s22  }
0x17: {  	s25 =	sadd.s32 $0x4B00, s1;
	s26 =	sadd.s32 $0x5000, s1;
	[dreg:$0x12] =	wrdreg s23  }
0x18: {  	s6 =	sadd.s32 $0x5A00, s1;
	s4 =	sadd.s32 $0x5F00, s1;
	[dreg:$0x13] =	wrdreg s25  }
0x19: {  	s5 =	simm.s32 $0x2;
	[dreg:$0x14] =	wrdreg s26;
	s11 =	sadd.s32 $0x5500, s1  }
0x1a: {  	s10 =	simm.s32 $0x680;
	s26 =	simm.s32 $0x190;
	s25 =	simm.s32 $0x1E0  }
.Ltmp0:
0x1b: {  	s23 =	simm.s32 $0x280;
	s22 =	simm.s32 $0x2D0;
	(pc) =	sbr.rel @!p1 .LBB2_3-.Ltmp0, $4  }
0x1c: {  	s21 =	simm.s32 $0x320;
	s20 =	simm.s32 $0x370;
	s19 =	simm.s32 $0x3C0  }
0x1d: {  	s18 =	simm.s32 $0x410;
	s1 =	sadd.s32 $0xFFFFFFFF, s0;
	s17 =	simm.s32 $0x460  }
0x1e: {  	s16 =	simm.s32 $0x4B0;
	s15 =	simm.s32 $0x500;
	s14 =	simm.s32 $0x550  }
0x1f: {  	s13 =	simm.s32 $0x5A0;
	s12 =	simm.s32 $0x5F0;
	s0 =	rddreg [dreg:$0x3]  }
0x20: {  	[tilespmem:s2], [sflag:$0x3] =	stream.linear.gather [hbm4b:s0+s2], $0x640, $0x38;
	[tilespmem:$0x5680] =	vst v63  }
0x21: {  	_ =	swait.ge [sflag:s31], $0x640  }
0x22: {  	[sflag:s31] =	ssyncset.done $0x0  }
0x23: {  	[sflag:s31] =	ssyncadd.s32 $0xFFFFF9C0  }
0x24: {  	[tilespmem:s10], [sflag:$0x1] =	stream.indirect.gather [hbm4b:s3+s9], $0x80, s2, s9, $0xb8;
	[tilespmem:$0x5680] =	vst v63  }
0x25: {  	_ =	swait.ge [sflag:s8], $0x2800  }
0x26: {  	[sflag:s8] =	ssyncset.done $0x0  }
0x27: {  	[sflag:s8] =	ssyncadd.s32 $0xFFFFD800  }
0x28: {  	[tilespmem:s7], [sflag:$0x1] =	stream.indirect.gather [hbm4b:s3+s9], $0x80, s9, s9, $0xb8;
	[tilespmem:$0x5680] =	vst v63  }
0x29: {  	s0 =	rddreg [dreg:$0x4]  }
0x2a: {  	[hbm4b:s0+s2] =	stream.linear.scatter [tilespmem:s10], [sflag:$0x2], $0x2800, $0x38;
	[tilespmem:$0x5680] =	vst v63  }
0x2b: {  	_ =	swait.ge [sflag:s8], $0x2800  }
0x2c: {  	[sflag:s8] =	ssyncset.done $0x0  }
0x2d: {  	[sflag:s8] =	ssyncadd.s32 $0xFFFFD800  }
0x2e: {  	_ =	swait.ge [sflag:s5], $0x2800  }
0x2f: {  	[sflag:s5] =	ssyncset.done $0x0  }
0x30: {  	[sflag:s5] =	ssyncadd.s32 $0xFFFFD800  }
0x31: {  	[tilespmem:s10], [sflag:$0x1] =	stream.indirect.gather [hbm4b:s3+s9], $0x80, s30, s9, $0xb8;
	[tilespmem:$0x5680] =	vst v63  }
0x32: {  	s0 =	rddreg [dreg:$0x5]  }
0x33: {  	[hbm4b:s0+s2] =	stream.linear.scatter [tilespmem:s7], [sflag:$0x2], $0x2800, $0x38;
	[tilespmem:$0x5680] =	vst v63  }
0x34: {  	_ =	swait.ge [sflag:s8], $0x2800  }
0x35: {  	[sflag:s8] =	ssyncset.done $0x0  }
0x36: {  	[sflag:s8] =	ssyncadd.s32 $0xFFFFD800  }
0x37: {  	_ =	swait.ge [sflag:s5], $0x2800  }
0x38: {  	[sflag:s5] =	ssyncset.done $0x0  }
0x39: {  	[sflag:s5] =	ssyncadd.s32 $0xFFFFD800  }
0x3a: {  	[tilespmem:s7], [sflag:$0x1] =	stream.indirect.gather [hbm4b:s3+s9], $0x80, s29, s9, $0xb8;
	[tilespmem:$0x5680] =	vst v63  }
0x3b: {  	s0 =	rddreg [dreg:$0x6]  }
0x3c: {  	[hbm4b:s0+s2] =	stream.linear.scatter [tilespmem:s10], [sflag:$0x2], $0x2800, $0x38;
	[tilespmem:$0x5680] =	vst v63  }
0x3d: {  	_ =	swait.ge [sflag:s8], $0x2800  }
0x3e: {  	[sflag:s8] =	ssyncset.done $0x0  }
0x3f: {  	[sflag:s8] =	ssyncadd.s32 $0xFFFFD800  }
0x40: {  	_ =	swait.ge [sflag:s5], $0x2800  }
0x41: {  	[sflag:s5] =	ssyncset.done $0x0  }
0x42: {  	[sflag:s5] =	ssyncadd.s32 $0xFFFFD800  }
0x43: {  	[tilespmem:s10], [sflag:$0x1] =	stream.indirect.gather [hbm4b:s3+s9], $0x80, s28, s9, $0xb8;
	[tilespmem:$0x5680] =	vst v63  }
0x44: {  	s0 =	rddreg [dreg:$0x7]  }
0x45: {  	[hbm4b:s0+s2] =	stream.linear.scatter [tilespmem:s7], [sflag:$0x2], $0x2800, $0x38;
	[tilespmem:$0x5680] =	vst v63  }
0x46: {  	_ =	swait.ge [sflag:s8], $0x2800  }
0x47: {  	[sflag:s8] =	ssyncset.done $0x0  }
0x48: {  	[sflag:s8] =	ssyncadd.s32 $0xFFFFD800  }
0x49: {  	_ =	swait.ge [sflag:s5], $0x2800  }
0x4a: {  	[sflag:s5] =	ssyncset.done $0x0  }
0x4b: {  	[sflag:s5] =	ssyncadd.s32 $0xFFFFD800  }
0x4c: {  	[tilespmem:s7], [sflag:$0x1] =	stream.indirect.gather [hbm4b:s3+s9], $0x80, s26, s9, $0xb8;
	[tilespmem:$0x5680] =	vst v63  }
0x4d: {  	s0 =	rddreg [dreg:$0x8]  }
0x4e: {  	[hbm4b:s0+s2] =	stream.linear.scatter [tilespmem:s10], [sflag:$0x2], $0x2800, $0x38;
	[tilespmem:$0x5680] =	vst v63  }
0x4f: {  	_ =	swait.ge [sflag:s8], $0x2800  }
0x50: {  	[sflag:s8] =	ssyncset.done $0x0  }
0x51: {  	[sflag:s8] =	ssyncadd.s32 $0xFFFFD800  }
0x52: {  	_ =	swait.ge [sflag:s5], $0x2800  }
0x53: {  	[sflag:s5] =	ssyncset.done $0x0  }
0x54: {  	[sflag:s5] =	ssyncadd.s32 $0xFFFFD800  }
0x55: {  	[tilespmem:s10], [sflag:$0x1] =	stream.indirect.gather [hbm4b:s3+s9], $0x80, s25, s9, $0xb8;
	[tilespmem:$0x5680] =	vst v63  }
0x56: {  	s0 =	rddreg [dreg:$0x9]  }
0x57: {  	[hbm4b:s0+s2] =	stream.linear.scatter [tilespmem:s7], [sflag:$0x2], $0x2800, $0x38;
	[tilespmem:$0x5680] =	vst v63  }
0x58: {  	_ =	swait.ge [sflag:s8], $0x2800  }
0x59: {  	[sflag:s8] =	ssyncset.done $0x0  }
0x5a: {  	[sflag:s8] =	ssyncadd.s32 $0xFFFFD800  }
0x5b: {  	_ =	swait.ge [sflag:s5], $0x2800  }
0x5c: {  	[sflag:s5] =	ssyncset.done $0x0  }
0x5d: {  	[sflag:s5] =	ssyncadd.s32 $0xFFFFD800  }
0x5e: {  	[tilespmem:s7], [sflag:$0x1] =	stream.indirect.gather [hbm4b:s3+s9], $0x80, s24, s9, $0xb8;
	[tilespmem:$0x5680] =	vst v63  }
0x5f: {  	s0 =	rddreg [dreg:$0xa]  }
0x60: {  	[hbm4b:s0+s2] =	stream.linear.scatter [tilespmem:s10], [sflag:$0x2], $0x2800, $0x38;
	[tilespmem:$0x5680] =	vst v63  }
0x61: {  	_ =	swait.ge [sflag:s8], $0x2800  }
0x62: {  	[sflag:s8] =	ssyncset.done $0x0  }
0x63: {  	[sflag:s8] =	ssyncadd.s32 $0xFFFFD800  }
0x64: {  	_ =	swait.ge [sflag:s5], $0x2800  }
0x65: {  	[sflag:s5] =	ssyncset.done $0x0  }
0x66: {  	[sflag:s5] =	ssyncadd.s32 $0xFFFFD800  }
0x67: {  	[tilespmem:s10], [sflag:$0x1] =	stream.indirect.gather [hbm4b:s3+s9], $0x80, s23, s9, $0xb8;
	[tilespmem:$0x5680] =	vst v63  }
0x68: {  	s0 =	rddreg [dreg:$0xb]  }
0x69: {  	[hbm4b:s0+s2] =	stream.linear.scatter [tilespmem:s7], [sflag:$0x2], $0x2800, $0x38;
	[tilespmem:$0x5680] =	vst v63  }
0x6a: {  	_ =	swait.ge [sflag:s8], $0x2800  }
0x6b: {  	[sflag:s8] =	ssyncset.done $0x0  }
0x6c: {  	[sflag:s8] =	ssyncadd.s32 $0xFFFFD800  }
0x6d: {  	_ =	swait.ge [sflag:s5], $0x2800  }
0x6e: {  	[sflag:s5] =	ssyncset.done $0x0  }
0x6f: {  	[sflag:s5] =	ssyncadd.s32 $0xFFFFD800  }
0x70: {  	[tilespmem:s7], [sflag:$0x1] =	stream.indirect.gather [hbm4b:s3+s9], $0x80, s22, s9, $0xb8;
	[tilespmem:$0x5680] =	vst v63  }
0x71: {  	s0 =	rddreg [dreg:$0xc]  }
0x72: {  	[hbm4b:s0+s2] =	stream.linear.scatter [tilespmem:s10], [sflag:$0x2], $0x2800, $0x38;
	[tilespmem:$0x5680] =	vst v63  }
0x73: {  	_ =	swait.ge [sflag:s8], $0x2800  }
0x74: {  	[sflag:s8] =	ssyncset.done $0x0  }
0x75: {  	[sflag:s8] =	ssyncadd.s32 $0xFFFFD800  }
0x76: {  	_ =	swait.ge [sflag:s5], $0x2800  }
0x77: {  	[sflag:s5] =	ssyncset.done $0x0  }
0x78: {  	[sflag:s5] =	ssyncadd.s32 $0xFFFFD800  }
0x79: {  	[tilespmem:s10], [sflag:$0x1] =	stream.indirect.gather [hbm4b:s3+s9], $0x80, s21, s9, $0xb8;
	[tilespmem:$0x5680] =	vst v63  }
0x7a: {  	s0 =	rddreg [dreg:$0xd]  }
0x7b: {  	[hbm4b:s0+s2] =	stream.linear.scatter [tilespmem:s7], [sflag:$0x2], $0x2800, $0x38;
	[tilespmem:$0x5680] =	vst v63  }
0x7c: {  	_ =	swait.ge [sflag:s8], $0x2800  }
0x7d: {  	[sflag:s8] =	ssyncset.done $0x0  }
0x7e: {  	[sflag:s8] =	ssyncadd.s32 $0xFFFFD800  }
0x7f: {  	_ =	swait.ge [sflag:s5], $0x2800  }
0x80: {  	[sflag:s5] =	ssyncset.done $0x0  }
0x81: {  	[sflag:s5] =	ssyncadd.s32 $0xFFFFD800  }
0x82: {  	[tilespmem:s7], [sflag:$0x1] =	stream.indirect.gather [hbm4b:s3+s9], $0x80, s20, s9, $0xb8;
	[tilespmem:$0x5680] =	vst v63  }
0x83: {  	s0 =	rddreg [dreg:$0xe]  }
0x84: {  	[hbm4b:s0+s2] =	stream.linear.scatter [tilespmem:s10], [sflag:$0x2], $0x2800, $0x38;
	[tilespmem:$0x5680] =	vst v63  }
0x85: {  	_ =	swait.ge [sflag:s8], $0x2800  }
0x86: {  	[sflag:s8] =	ssyncset.done $0x0  }
0x87: {  	[sflag:s8] =	ssyncadd.s32 $0xFFFFD800  }
0x88: {  	_ =	swait.ge [sflag:s5], $0x2800  }
0x89: {  	[sflag:s5] =	ssyncset.done $0x0  }
0x8a: {  	[sflag:s5] =	ssyncadd.s32 $0xFFFFD800  }
0x8b: {  	[tilespmem:s10], [sflag:$0x1] =	stream.indirect.gather [hbm4b:s3+s9], $0x80, s19, s9, $0xb8;
	[tilespmem:$0x5680] =	vst v63  }
0x8c: {  	s0 =	rddreg [dreg:$0xf]  }
0x8d: {  	[hbm4b:s0+s2] =	stream.linear.scatter [tilespmem:s7], [sflag:$0x2], $0x2800, $0x38;
	[tilespmem:$0x5680] =	vst v63  }
0x8e: {  	_ =	swait.ge [sflag:s8], $0x2800  }
0x8f: {  	[sflag:s8] =	ssyncset.done $0x0  }
0x90: {  	[sflag:s8] =	ssyncadd.s32 $0xFFFFD800  }
0x91: {  	_ =	swait.ge [sflag:s5], $0x2800  }
0x92: {  	[sflag:s5] =	ssyncset.done $0x0  }
0x93: {  	[sflag:s5] =	ssyncadd.s32 $0xFFFFD800  }
0x94: {  	[tilespmem:s7], [sflag:$0x1] =	stream.indirect.gather [hbm4b:s3+s9], $0x80, s18, s9, $0xb8;
	[tilespmem:$0x5680] =	vst v63  }
0x95: {  	s0 =	rddreg [dreg:$0x10]  }
0x96: {  	[hbm4b:s0+s2] =	stream.linear.scatter [tilespmem:s10], [sflag:$0x2], $0x2800, $0x38;
	[tilespmem:$0x5680] =	vst v63  }
0x97: {  	_ =	swait.ge [sflag:s8], $0x2800  }
0x98: {  	[sflag:s8] =	ssyncset.done $0x0  }
0x99: {  	[sflag:s8] =	ssyncadd.s32 $0xFFFFD800  }
0x9a: {  	_ =	swait.ge [sflag:s5], $0x2800  }
0x9b: {  	[sflag:s5] =	ssyncset.done $0x0  }
0x9c: {  	[sflag:s5] =	ssyncadd.s32 $0xFFFFD800  }
0x9d: {  	[tilespmem:s10], [sflag:$0x1] =	stream.indirect.gather [hbm4b:s3+s9], $0x80, s17, s9, $0xb8;
	[tilespmem:$0x5680] =	vst v63  }
0x9e: {  	s0 =	rddreg [dreg:$0x11]  }
0x9f: {  	[hbm4b:s0+s2] =	stream.linear.scatter [tilespmem:s7], [sflag:$0x2], $0x2800, $0x38;
	[tilespmem:$0x5680] =	vst v63  }
0xa0: {  	_ =	swait.ge [sflag:s8], $0x2800  }
0xa1: {  	[sflag:s8] =	ssyncset.done $0x0  }
0xa2: {  	[sflag:s8] =	ssyncadd.s32 $0xFFFFD800  }
0xa3: {  	_ =	swait.ge [sflag:s5], $0x2800  }
0xa4: {  	[sflag:s5] =	ssyncset.done $0x0  }
0xa5: {  	[sflag:s5] =	ssyncadd.s32 $0xFFFFD800  }
0xa6: {  	[tilespmem:s7], [sflag:$0x1] =	stream.indirect.gather [hbm4b:s3+s9], $0x80, s16, s9, $0xb8;
	[tilespmem:$0x5680] =	vst v63  }
0xa7: {  	s0 =	rddreg [dreg:$0x12]  }
0xa8: {  	[hbm4b:s0+s2] =	stream.linear.scatter [tilespmem:s10], [sflag:$0x2], $0x2800, $0x38;
	[tilespmem:$0x5680] =	vst v63  }
0xa9: {  	_ =	swait.ge [sflag:s8], $0x2800  }
0xaa: {  	[sflag:s8] =	ssyncset.done $0x0  }
0xab: {  	[sflag:s8] =	ssyncadd.s32 $0xFFFFD800  }
0xac: {  	_ =	swait.ge [sflag:s5], $0x2800  }
0xad: {  	[sflag:s5] =	ssyncset.done $0x0  }
0xae: {  	[sflag:s5] =	ssyncadd.s32 $0xFFFFD800  }
0xaf: {  	[tilespmem:s10], [sflag:$0x1] =	stream.indirect.gather [hbm4b:s3+s9], $0x80, s15, s9, $0xb8;
	[tilespmem:$0x5680] =	vst v63  }
0xb0: {  	s0 =	rddreg [dreg:$0x13]  }
0xb1: {  	[hbm4b:s0+s2] =	stream.linear.scatter [tilespmem:s7], [sflag:$0x2], $0x2800, $0x38;
	[tilespmem:$0x5680] =	vst v63  }
0xb2: {  	_ =	swait.ge [sflag:s8], $0x2800  }
0xb3: {  	[sflag:s8] =	ssyncset.done $0x0  }
0xb4: {  	[sflag:s8] =	ssyncadd.s32 $0xFFFFD800  }
0xb5: {  	_ =	swait.ge [sflag:s5], $0x2800  }
0xb6: {  	[sflag:s5] =	ssyncset.done $0x0  }
0xb7: {  	[sflag:s5] =	ssyncadd.s32 $0xFFFFD800  }
0xb8: {  	[tilespmem:s7], [sflag:$0x1] =	stream.indirect.gather [hbm4b:s3+s9], $0x80, s14, s9, $0xb8;
	[tilespmem:$0x5680] =	vst v63  }
0xb9: {  	s0 =	rddreg [dreg:$0x14]  }
0xba: {  	[hbm4b:s0+s2] =	stream.linear.scatter [tilespmem:s10], [sflag:$0x2], $0x2800, $0x38;
	[tilespmem:$0x5680] =	vst v63  }
0xbb: {  	_ =	swait.ge [sflag:s8], $0x2800  }
0xbc: {  	[sflag:s8] =	ssyncset.done $0x0  }
0xbd: {  	[sflag:s8] =	ssyncadd.s32 $0xFFFFD800  }
0xbe: {  	_ =	swait.ge [sflag:s5], $0x2800  }
0xbf: {  	[sflag:s5] =	ssyncset.done $0x0  }
0xc0: {  	[sflag:s5] =	ssyncadd.s32 $0xFFFFD800  }
0xc1: {  	[tilespmem:s10], [sflag:$0x1] =	stream.indirect.gather [hbm4b:s3+s9], $0x80, s13, s9, $0xb8;
	[tilespmem:$0x5680] =	vst v63  }
0xc2: {  	_ = 	snop  }
0xc3: {  	[hbm4b:s11+s2] =	stream.linear.scatter [tilespmem:s7], [sflag:$0x2], $0x2800, $0x38;
	[tilespmem:$0x5680] =	vst v63  }
0xc4: {  	_ =	swait.ge [sflag:s8], $0x2800  }
0xc5: {  	[sflag:s8] =	ssyncset.done $0x0  }
0xc6: {  	[sflag:s8] =	ssyncadd.s32 $0xFFFFD800  }
0xc7: {  	_ =	swait.ge [sflag:s5], $0x2800  }
0xc8: {  	[sflag:s5] =	ssyncset.done $0x0  }
0xc9: {  	[sflag:s5] =	ssyncadd.s32 $0xFFFFD800  }
0xca: {  	[tilespmem:s7], [sflag:$0x1] =	stream.indirect.gather [hbm4b:s3+s9], $0x80, s12, s9, $0xb8;
	[tilespmem:$0x5680] =	vst v63  }
0xcb: {  	_ = 	snop  }
0xcc: {  	[hbm4b:s6+s2] =	stream.linear.scatter [tilespmem:s10], [sflag:$0x2], $0x2800, $0x38;
	[tilespmem:$0x5680] =	vst v63  }
0xcd: {  	_ =	swait.ge [sflag:s8], $0x2800  }
0xce: {  	[sflag:s8] =	ssyncset.done $0x0  }
0xcf: {  	[sflag:s8] =	ssyncadd.s32 $0xFFFFD800  }
0xd0: {  	p1 =	sne.s32 s1, $0x1;
	_ =	swait.ge [sflag:s5], $0x2800  }
.Ltmp1:
0xd1: {  	[sflag:s5] =	ssyncset.done $0x0;
	(pc) =	sbr.rel @!p1 .LBB2_3-.Ltmp1, $4  }
0xd2: {  	[sflag:s5] =	ssyncadd.s32 $0xFFFFD800  }
0xd3: {  	[hbm4b:s4+s2] =	stream.linear.scatter [tilespmem:s7], [sflag:$0x2], $0x2800, $0x38;
	[tilespmem:$0x5680] =	vst v63  }
0xd4: {  	s1 =	sadd.s32 $0xFFFFFFFF, s1;
	_ =	swait.ge [sflag:s5], $0x2800  }
0xd5: {  	p0 =	por $0x1, $0x1;
	s0 =	rddreg [dreg:$0x3];
	[sflag:s5] =	ssyncset.done $0x0  }
.LBB2_2:
0xd6: {  	[sflag:s5] =	ssyncadd.s32 $0xFFFFD800  }
0xd7: {  	[tilespmem:s2], [sflag:$0x3] =	stream.linear.gather [hbm4b:s0+s2], $0x640, $0x38;
	[tilespmem:$0x5680] =	vst v63  }
0xd8: {  	_ =	swait.ge [sflag:s31], $0x640  }
0xd9: {  	[sflag:s31] =	ssyncset.done $0x0  }
0xda: {  	[sflag:s31] =	ssyncadd.s32 $0xFFFFF9C0  }
0xdb: {  	[tilespmem:s10], [sflag:$0x1] =	stream.indirect.gather [hbm4b:s3+s9], $0x80, s2, s9, $0xb8;
	[tilespmem:$0x5680] =	vst v63  }
0xdc: {  	_ =	swait.ge [sflag:s8], $0x2800  }
0xdd: {  	[sflag:s8] =	ssyncset.done $0x0  }
0xde: {  	[sflag:s8] =	ssyncadd.s32 $0xFFFFD800  }
0xdf: {  	[tilespmem:s7], [sflag:$0x1] =	stream.indirect.gather [hbm4b:s3+s9], $0x80, s9, s9, $0xb8;
	[tilespmem:$0x5680] =	vst v63  }
0xe0: {  	s0 =	rddreg [dreg:$0x4]  }
0xe1: {  	[hbm4b:s0+s2] =	stream.linear.scatter [tilespmem:s10], [sflag:$0x2], $0x2800, $0x38;
	[tilespmem:$0x5680] =	vst v63  }
0xe2: {  	_ =	swait.ge [sflag:s8], $0x2800  }
0xe3: {  	[sflag:s8] =	ssyncset.done $0x0  }
0xe4: {  	[sflag:s8] =	ssyncadd.s32 $0xFFFFD800  }
0xe5: {  	_ =	swait.ge [sflag:s5], $0x2800  }
0xe6: {  	[sflag:s5] =	ssyncset.done $0x0  }
0xe7: {  	[sflag:s5] =	ssyncadd.s32 $0xFFFFD800  }
0xe8: {  	[tilespmem:s10], [sflag:$0x1] =	stream.indirect.gather [hbm4b:s3+s9], $0x80, s30, s9, $0xb8;
	[tilespmem:$0x5680] =	vst v63  }
0xe9: {  	s0 =	rddreg [dreg:$0x5]  }
0xea: {  	[hbm4b:s0+s2] =	stream.linear.scatter [tilespmem:s7], [sflag:$0x2], $0x2800, $0x38;
	[tilespmem:$0x5680] =	vst v63  }
0xeb: {  	_ =	swait.ge [sflag:s8], $0x2800  }
0xec: {  	[sflag:s8] =	ssyncset.done $0x0  }
0xed: {  	[sflag:s8] =	ssyncadd.s32 $0xFFFFD800  }
0xee: {  	_ =	swait.ge [sflag:s5], $0x2800  }
0xef: {  	[sflag:s5] =	ssyncset.done $0x0  }
0xf0: {  	[sflag:s5] =	ssyncadd.s32 $0xFFFFD800  }
0xf1: {  	[tilespmem:s7], [sflag:$0x1] =	stream.indirect.gather [hbm4b:s3+s9], $0x80, s29, s9, $0xb8;
	[tilespmem:$0x5680] =	vst v63  }
0xf2: {  	s0 =	rddreg [dreg:$0x6]  }
0xf3: {  	[hbm4b:s0+s2] =	stream.linear.scatter [tilespmem:s10], [sflag:$0x2], $0x2800, $0x38;
	[tilespmem:$0x5680] =	vst v63  }
0xf4: {  	_ =	swait.ge [sflag:s8], $0x2800  }
0xf5: {  	[sflag:s8] =	ssyncset.done $0x0  }
0xf6: {  	[sflag:s8] =	ssyncadd.s32 $0xFFFFD800  }
0xf7: {  	_ =	swait.ge [sflag:s5], $0x2800  }
0xf8: {  	[sflag:s5] =	ssyncset.done $0x0  }
0xf9: {  	[sflag:s5] =	ssyncadd.s32 $0xFFFFD800  }
0xfa: {  	[tilespmem:s10], [sflag:$0x1] =	stream.indirect.gather [hbm4b:s3+s9], $0x80, s28, s9, $0xb8;
	[tilespmem:$0x5680] =	vst v63  }
0xfb: {  	s0 =	rddreg [dreg:$0x7]  }
0xfc: {  	[hbm4b:s0+s2] =	stream.linear.scatter [tilespmem:s7], [sflag:$0x2], $0x2800, $0x38;
	[tilespmem:$0x5680] =	vst v63  }
0xfd: {  	_ =	swait.ge [sflag:s8], $0x2800  }
0xfe: {  	[sflag:s8] =	ssyncset.done $0x0  }
0xff: {  	[sflag:s8] =	ssyncadd.s32 $0xFFFFD800  }
0x100: {  	_ =	swait.ge [sflag:s5], $0x2800  }
0x101: {  	[sflag:s5] =	ssyncset.done $0x0  }
0x102: {  	[sflag:s5] =	ssyncadd.s32 $0xFFFFD800  }
0x103: {  	[tilespmem:s7], [sflag:$0x1] =	stream.indirect.gather [hbm4b:s3+s9], $0x80, s26, s9, $0xb8;
	[tilespmem:$0x5680] =	vst v63  }
0x104: {  	s0 =	rddreg [dreg:$0x8]  }
0x105: {  	[hbm4b:s0+s2] =	stream.linear.scatter [tilespmem:s10], [sflag:$0x2], $0x2800, $0x38;
	[tilespmem:$0x5680] =	vst v63  }
0x106: {  	_ =	swait.ge [sflag:s8], $0x2800  }
0x107: {  	[sflag:s8] =	ssyncset.done $0x0  }
0x108: {  	[sflag:s8] =	ssyncadd.s32 $0xFFFFD800  }
0x109: {  	_ =	swait.ge [sflag:s5], $0x2800  }
0x10a: {  	[sflag:s5] =	ssyncset.done $0x0  }
0x10b: {  	[sflag:s5] =	ssyncadd.s32 $0xFFFFD800  }
0x10c: {  	[tilespmem:s10], [sflag:$0x1] =	stream.indirect.gather [hbm4b:s3+s9], $0x80, s25, s9, $0xb8;
	[tilespmem:$0x5680] =	vst v63  }
0x10d: {  	s0 =	rddreg [dreg:$0x9]  }
0x10e: {  	[hbm4b:s0+s2] =	stream.linear.scatter [tilespmem:s7], [sflag:$0x2], $0x2800, $0x38;
	[tilespmem:$0x5680] =	vst v63  }
0x10f: {  	_ =	swait.ge [sflag:s8], $0x2800  }
0x110: {  	[sflag:s8] =	ssyncset.done $0x0  }
0x111: {  	[sflag:s8] =	ssyncadd.s32 $0xFFFFD800  }
0x112: {  	_ =	swait.ge [sflag:s5], $0x2800  }
0x113: {  	[sflag:s5] =	ssyncset.done $0x0  }
0x114: {  	[sflag:s5] =	ssyncadd.s32 $0xFFFFD800  }
0x115: {  	[tilespmem:s7], [sflag:$0x1] =	stream.indirect.gather [hbm4b:s3+s9], $0x80, s24, s9, $0xb8;
	[tilespmem:$0x5680] =	vst v63  }
0x116: {  	s0 =	rddreg [dreg:$0xa]  }
0x117: {  	[hbm4b:s0+s2] =	stream.linear.scatter [tilespmem:s10], [sflag:$0x2], $0x2800, $0x38;
	[tilespmem:$0x5680] =	vst v63  }
0x118: {  	_ =	swait.ge [sflag:s8], $0x2800  }
0x119: {  	[sflag:s8] =	ssyncset.done $0x0  }
0x11a: {  	[sflag:s8] =	ssyncadd.s32 $0xFFFFD800  }
0x11b: {  	_ =	swait.ge [sflag:s5], $0x2800  }
0x11c: {  	[sflag:s5] =	ssyncset.done $0x0  }
0x11d: {  	[sflag:s5] =	ssyncadd.s32 $0xFFFFD800  }
0x11e: {  	[tilespmem:s10], [sflag:$0x1] =	stream.indirect.gather [hbm4b:s3+s9], $0x80, s23, s9, $0xb8;
	[tilespmem:$0x5680] =	vst v63  }
0x11f: {  	s0 =	rddreg [dreg:$0xb]  }
0x120: {  	[hbm4b:s0+s2] =	stream.linear.scatter [tilespmem:s7], [sflag:$0x2], $0x2800, $0x38;
	[tilespmem:$0x5680] =	vst v63  }
0x121: {  	_ =	swait.ge [sflag:s8], $0x2800  }
0x122: {  	[sflag:s8] =	ssyncset.done $0x0  }
0x123: {  	[sflag:s8] =	ssyncadd.s32 $0xFFFFD800  }
0x124: {  	_ =	swait.ge [sflag:s5], $0x2800  }
0x125: {  	[sflag:s5] =	ssyncset.done $0x0  }
0x126: {  	[sflag:s5] =	ssyncadd.s32 $0xFFFFD800  }
0x127: {  	[tilespmem:s7], [sflag:$0x1] =	stream.indirect.gather [hbm4b:s3+s9], $0x80, s22, s9, $0xb8;
	[tilespmem:$0x5680] =	vst v63  }
0x128: {  	s0 =	rddreg [dreg:$0xc]  }
0x129: {  	[hbm4b:s0+s2] =	stream.linear.scatter [tilespmem:s10], [sflag:$0x2], $0x2800, $0x38;
	[tilespmem:$0x5680] =	vst v63  }
0x12a: {  	_ =	swait.ge [sflag:s8], $0x2800  }
0x12b: {  	[sflag:s8] =	ssyncset.done $0x0  }
0x12c: {  	[sflag:s8] =	ssyncadd.s32 $0xFFFFD800  }
0x12d: {  	_ =	swait.ge [sflag:s5], $0x2800  }
0x12e: {  	[sflag:s5] =	ssyncset.done $0x0  }
0x12f: {  	[sflag:s5] =	ssyncadd.s32 $0xFFFFD800  }
0x130: {  	[tilespmem:s10], [sflag:$0x1] =	stream.indirect.gather [hbm4b:s3+s9], $0x80, s21, s9, $0xb8;
	[tilespmem:$0x5680] =	vst v63  }
0x131: {  	s0 =	rddreg [dreg:$0xd]  }
0x132: {  	[hbm4b:s0+s2] =	stream.linear.scatter [tilespmem:s7], [sflag:$0x2], $0x2800, $0x38;
	[tilespmem:$0x5680] =	vst v63  }
0x133: {  	_ =	swait.ge [sflag:s8], $0x2800  }
0x134: {  	[sflag:s8] =	ssyncset.done $0x0  }
0x135: {  	[sflag:s8] =	ssyncadd.s32 $0xFFFFD800  }
0x136: {  	_ =	swait.ge [sflag:s5], $0x2800  }
0x137: {  	[sflag:s5] =	ssyncset.done $0x0  }
0x138: {  	[sflag:s5] =	ssyncadd.s32 $0xFFFFD800  }
0x139: {  	[tilespmem:s7], [sflag:$0x1] =	stream.indirect.gather [hbm4b:s3+s9], $0x80, s20, s9, $0xb8;
	[tilespmem:$0x5680] =	vst v63  }
0x13a: {  	s0 =	rddreg [dreg:$0xe]  }
0x13b: {  	[hbm4b:s0+s2] =	stream.linear.scatter [tilespmem:s10], [sflag:$0x2], $0x2800, $0x38;
	[tilespmem:$0x5680] =	vst v63  }
0x13c: {  	_ =	swait.ge [sflag:s8], $0x2800  }
0x13d: {  	[sflag:s8] =	ssyncset.done $0x0  }
0x13e: {  	[sflag:s8] =	ssyncadd.s32 $0xFFFFD800  }
0x13f: {  	_ =	swait.ge [sflag:s5], $0x2800  }
0x140: {  	[sflag:s5] =	ssyncset.done $0x0  }
0x141: {  	[sflag:s5] =	ssyncadd.s32 $0xFFFFD800  }
0x142: {  	[tilespmem:s10], [sflag:$0x1] =	stream.indirect.gather [hbm4b:s3+s9], $0x80, s19, s9, $0xb8;
	[tilespmem:$0x5680] =	vst v63  }
0x143: {  	s0 =	rddreg [dreg:$0xf]  }
0x144: {  	[hbm4b:s0+s2] =	stream.linear.scatter [tilespmem:s7], [sflag:$0x2], $0x2800, $0x38;
	[tilespmem:$0x5680] =	vst v63  }
0x145: {  	_ =	swait.ge [sflag:s8], $0x2800  }
0x146: {  	[sflag:s8] =	ssyncset.done $0x0  }
0x147: {  	[sflag:s8] =	ssyncadd.s32 $0xFFFFD800  }
0x148: {  	_ =	swait.ge [sflag:s5], $0x2800  }
0x149: {  	[sflag:s5] =	ssyncset.done $0x0  }
0x14a: {  	[sflag:s5] =	ssyncadd.s32 $0xFFFFD800  }
0x14b: {  	[tilespmem:s7], [sflag:$0x1] =	stream.indirect.gather [hbm4b:s3+s9], $0x80, s18, s9, $0xb8;
	[tilespmem:$0x5680] =	vst v63  }
0x14c: {  	s0 =	rddreg [dreg:$0x10]  }
0x14d: {  	[hbm4b:s0+s2] =	stream.linear.scatter [tilespmem:s10], [sflag:$0x2], $0x2800, $0x38;
	[tilespmem:$0x5680] =	vst v63  }
0x14e: {  	_ =	swait.ge [sflag:s8], $0x2800  }
0x14f: {  	[sflag:s8] =	ssyncset.done $0x0  }
0x150: {  	[sflag:s8] =	ssyncadd.s32 $0xFFFFD800  }
0x151: {  	_ =	swait.ge [sflag:s5], $0x2800  }
0x152: {  	[sflag:s5] =	ssyncset.done $0x0  }
0x153: {  	[sflag:s5] =	ssyncadd.s32 $0xFFFFD800  }
0x154: {  	[tilespmem:s10], [sflag:$0x1] =	stream.indirect.gather [hbm4b:s3+s9], $0x80, s17, s9, $0xb8;
	[tilespmem:$0x5680] =	vst v63  }
0x155: {  	s0 =	rddreg [dreg:$0x11]  }
0x156: {  	[hbm4b:s0+s2] =	stream.linear.scatter [tilespmem:s7], [sflag:$0x2], $0x2800, $0x38;
	[tilespmem:$0x5680] =	vst v63  }
0x157: {  	_ =	swait.ge [sflag:s8], $0x2800  }
0x158: {  	[sflag:s8] =	ssyncset.done $0x0  }
0x159: {  	[sflag:s8] =	ssyncadd.s32 $0xFFFFD800  }
0x15a: {  	_ =	swait.ge [sflag:s5], $0x2800  }
0x15b: {  	[sflag:s5] =	ssyncset.done $0x0  }
0x15c: {  	[sflag:s5] =	ssyncadd.s32 $0xFFFFD800  }
0x15d: {  	[tilespmem:s7], [sflag:$0x1] =	stream.indirect.gather [hbm4b:s3+s9], $0x80, s16, s9, $0xb8;
	[tilespmem:$0x5680] =	vst v63  }
0x15e: {  	s0 =	rddreg [dreg:$0x12]  }
0x15f: {  	[hbm4b:s0+s2] =	stream.linear.scatter [tilespmem:s10], [sflag:$0x2], $0x2800, $0x38;
	[tilespmem:$0x5680] =	vst v63  }
0x160: {  	_ =	swait.ge [sflag:s8], $0x2800  }
0x161: {  	[sflag:s8] =	ssyncset.done $0x0  }
0x162: {  	[sflag:s8] =	ssyncadd.s32 $0xFFFFD800  }
0x163: {  	_ =	swait.ge [sflag:s5], $0x2800  }
0x164: {  	[sflag:s5] =	ssyncset.done $0x0  }
0x165: {  	[sflag:s5] =	ssyncadd.s32 $0xFFFFD800  }
0x166: {  	[tilespmem:s10], [sflag:$0x1] =	stream.indirect.gather [hbm4b:s3+s9], $0x80, s15, s9, $0xb8;
	[tilespmem:$0x5680] =	vst v63  }
0x167: {  	s0 =	rddreg [dreg:$0x13]  }
0x168: {  	[hbm4b:s0+s2] =	stream.linear.scatter [tilespmem:s7], [sflag:$0x2], $0x2800, $0x38;
	[tilespmem:$0x5680] =	vst v63  }
0x169: {  	_ =	swait.ge [sflag:s8], $0x2800  }
0x16a: {  	[sflag:s8] =	ssyncset.done $0x0  }
0x16b: {  	[sflag:s8] =	ssyncadd.s32 $0xFFFFD800  }
0x16c: {  	_ =	swait.ge [sflag:s5], $0x2800  }
0x16d: {  	[sflag:s5] =	ssyncset.done $0x0  }
0x16e: {  	[sflag:s5] =	ssyncadd.s32 $0xFFFFD800  }
0x16f: {  	[tilespmem:s7], [sflag:$0x1] =	stream.indirect.gather [hbm4b:s3+s9], $0x80, s14, s9, $0xb8;
	[tilespmem:$0x5680] =	vst v63  }
0x170: {  	s0 =	rddreg [dreg:$0x14]  }
0x171: {  	[hbm4b:s0+s2] =	stream.linear.scatter [tilespmem:s10], [sflag:$0x2], $0x2800, $0x38;
	[tilespmem:$0x5680] =	vst v63  }
0x172: {  	_ =	swait.ge [sflag:s8], $0x2800  }
0x173: {  	[sflag:s8] =	ssyncset.done $0x0  }
0x174: {  	[sflag:s8] =	ssyncadd.s32 $0xFFFFD800  }
0x175: {  	_ =	swait.ge [sflag:s5], $0x2800  }
0x176: {  	[sflag:s5] =	ssyncset.done $0x0  }
0x177: {  	[sflag:s5] =	ssyncadd.s32 $0xFFFFD800  }
0x178: {  	[tilespmem:s10], [sflag:$0x1] =	stream.indirect.gather [hbm4b:s3+s9], $0x80, s13, s9, $0xb8;
	[tilespmem:$0x5680] =	vst v63  }
0x179: {  	_ = 	snop  }
0x17a: {  	[hbm4b:s11+s2] =	stream.linear.scatter [tilespmem:s7], [sflag:$0x2], $0x2800, $0x38;
	[tilespmem:$0x5680] =	vst v63  }
0x17b: {  	_ =	swait.ge [sflag:s8], $0x2800  }
0x17c: {  	[sflag:s8] =	ssyncset.done $0x0  }
0x17d: {  	[sflag:s8] =	ssyncadd.s32 $0xFFFFD800  }
0x17e: {  	_ =	swait.ge [sflag:s5], $0x2800  }
0x17f: {  	[sflag:s5] =	ssyncset.done $0x0  }
0x180: {  	[sflag:s5] =	ssyncadd.s32 $0xFFFFD800  }
0x181: {  	[tilespmem:s7], [sflag:$0x1] =	stream.indirect.gather [hbm4b:s3+s9], $0x80, s12, s9, $0xb8;
	[tilespmem:$0x5680] =	vst v63  }
0x182: {  	_ = 	snop  }
0x183: {  	[hbm4b:s6+s2] =	stream.linear.scatter [tilespmem:s10], [sflag:$0x2], $0x2800, $0x38;
	[tilespmem:$0x5680] =	vst v63  }
0x184: {  	_ =	swait.ge [sflag:s8], $0x2800  }
0x185: {  	[sflag:s8] =	ssyncset.done $0x0  }
0x186: {  	[sflag:s8] =	ssyncadd.s32 $0xFFFFD800  }
0x187: {  	p1 =	sne.s32 s1, $0x1;
	_ =	swait.ge [sflag:s5], $0x2800  }
.Ltmp2:
0x188: {  	[sflag:s5] =	ssyncset.done $0x0;
	(pc) =	sbr.rel @p1 .LBB2_2-.Ltmp2, $4  }
0x189: {  	[sflag:s5] =	ssyncadd.s32 $0xFFFFD800  }
0x18a: {  	[hbm4b:s4+s2] =	stream.linear.scatter [tilespmem:s7], [sflag:$0x2], $0x2800, $0x38;
	[tilespmem:$0x5680] =	vst v63  }
0x18b: {  	_ =	swait.ge [sflag:s5], $0x2800  }
0x18c: {  	s1 =	sadd.s32 $0xFFFFFFFF, s1;
	s0 =	rddreg [dreg:$0x3];
	[sflag:s5] =	ssyncset.done $0x0  }
.LBB2_3:
0x18d: {  	[sflag:s5] =	ssyncadd.s32 @p0 $0xFFFFD800  }
0x18e: {  	[tilespmem:s2], [sflag:$0x3] =	stream.linear.gather [hbm4b:s0+s2], $0x640, $0x38;
	[tilespmem:$0x5680] =	vst v63  }
0x18f: {  	_ =	swait.ge [sflag:s31], $0x640  }
0x190: {  	[sflag:s31] =	ssyncset.done $0x0  }
0x191: {  	[sflag:s31] =	ssyncadd.s32 $0xFFFFF9C0  }
0x192: {  	[tilespmem:s10], [sflag:$0x1] =	stream.indirect.gather [hbm4b:s3+s9], $0x80, s2, s9, $0xb8;
	[tilespmem:$0x5680] =	vst v63  }
0x193: {  	_ =	swait.ge [sflag:s8], $0x2800  }
0x194: {  	[sflag:s8] =	ssyncset.done $0x0  }
0x195: {  	[sflag:s8] =	ssyncadd.s32 $0xFFFFD800  }
0x196: {  	[tilespmem:s7], [sflag:$0x1] =	stream.indirect.gather [hbm4b:s3+s9], $0x80, s9, s9, $0xb8;
	[tilespmem:$0x5680] =	vst v63  }
0x197: {  	s31 =	rddreg [dreg:$0x4]  }
0x198: {  	[hbm4b:s31+s2] =	stream.linear.scatter [tilespmem:s10], [sflag:$0x2], $0x2800, $0x38;
	[tilespmem:$0x5680] =	vst v63  }
0x199: {  	_ =	swait.ge [sflag:s8], $0x2800  }
0x19a: {  	[sflag:s8] =	ssyncset.done $0x0  }
0x19b: {  	[sflag:s8] =	ssyncadd.s32 $0xFFFFD800  }
0x19c: {  	_ =	swait.ge [sflag:s5], $0x2800  }
0x19d: {  	[sflag:s5] =	ssyncset.done $0x0  }
0x19e: {  	[sflag:s5] =	ssyncadd.s32 $0xFFFFD800  }
0x19f: {  	[tilespmem:s10], [sflag:$0x1] =	stream.indirect.gather [hbm4b:s3+s9], $0x80, s30, s9, $0xb8;
	[tilespmem:$0x5680] =	vst v63  }
0x1a0: {  	s1 =	rddreg [dreg:$0x5]  }
0x1a1: {  	[hbm4b:s1+s2] =	stream.linear.scatter [tilespmem:s7], [sflag:$0x2], $0x2800, $0x38;
	[tilespmem:$0x5680] =	vst v63  }
0x1a2: {  	_ =	swait.ge [sflag:s8], $0x2800  }
0x1a3: {  	[sflag:s8] =	ssyncset.done $0x0  }
0x1a4: {  	[sflag:s8] =	ssyncadd.s32 $0xFFFFD800  }
0x1a5: {  	_ =	swait.ge [sflag:s5], $0x2800  }
0x1a6: {  	[sflag:s5] =	ssyncset.done $0x0  }
0x1a7: {  	[sflag:s5] =	ssyncadd.s32 $0xFFFFD800  }
0x1a8: {  	[tilespmem:s7], [sflag:$0x1] =	stream.indirect.gather [hbm4b:s3+s9], $0x80, s29, s9, $0xb8;
	[tilespmem:$0x5680] =	vst v63  }
0x1a9: {  	s31 =	rddreg [dreg:$0x6]  }
0x1aa: {  	[hbm4b:s31+s2] =	stream.linear.scatter [tilespmem:s10], [sflag:$0x2], $0x2800, $0x38;
	[tilespmem:$0x5680] =	vst v63  }
0x1ab: {  	_ =	swait.ge [sflag:s8], $0x2800  }
0x1ac: {  	[sflag:s8] =	ssyncset.done $0x0  }
0x1ad: {  	[sflag:s8] =	ssyncadd.s32 $0xFFFFD800  }
0x1ae: {  	_ =	swait.ge [sflag:s5], $0x2800  }
0x1af: {  	[sflag:s5] =	ssyncset.done $0x0  }
0x1b0: {  	[sflag:s5] =	ssyncadd.s32 $0xFFFFD800  }
0x1b1: {  	[tilespmem:s10], [sflag:$0x1] =	stream.indirect.gather [hbm4b:s3+s9], $0x80, s28, s9, $0xb8;
	[tilespmem:$0x5680] =	vst v63  }
0x1b2: {  	s1 =	rddreg [dreg:$0x7]  }
0x1b3: {  	[hbm4b:s1+s2] =	stream.linear.scatter [tilespmem:s7], [sflag:$0x2], $0x2800, $0x38;
	[tilespmem:$0x5680] =	vst v63  }
0x1b4: {  	_ =	swait.ge [sflag:s8], $0x2800  }
0x1b5: {  	[sflag:s8] =	ssyncset.done $0x0  }
0x1b6: {  	[sflag:s8] =	ssyncadd.s32 $0xFFFFD800  }
0x1b7: {  	_ =	swait.ge [sflag:s5], $0x2800  }
0x1b8: {  	[sflag:s5] =	ssyncset.done $0x0  }
0x1b9: {  	[sflag:s5] =	ssyncadd.s32 $0xFFFFD800  }
0x1ba: {  	[tilespmem:s7], [sflag:$0x1] =	stream.indirect.gather [hbm4b:s3+s9], $0x80, s26, s9, $0xb8;
	[tilespmem:$0x5680] =	vst v63  }
0x1bb: {  	s28 =	rddreg [dreg:$0x8]  }
0x1bc: {  	[hbm4b:s28+s2] =	stream.linear.scatter [tilespmem:s10], [sflag:$0x2], $0x2800, $0x38;
	[tilespmem:$0x5680] =	vst v63  }
0x1bd: {  	_ =	swait.ge [sflag:s8], $0x2800  }
0x1be: {  	[sflag:s8] =	ssyncset.done $0x0  }
0x1bf: {  	[sflag:s8] =	ssyncadd.s32 $0xFFFFD800  }
0x1c0: {  	_ =	swait.ge [sflag:s5], $0x2800  }
0x1c1: {  	[sflag:s5] =	ssyncset.done $0x0  }
0x1c2: {  	[sflag:s5] =	ssyncadd.s32 $0xFFFFD800  }
0x1c3: {  	[tilespmem:s10], [sflag:$0x1] =	stream.indirect.gather [hbm4b:s3+s9], $0x80, s25, s9, $0xb8;
	[tilespmem:$0x5680] =	vst v63  }
0x1c4: {  	s29 =	rddreg [dreg:$0x9]  }
0x1c5: {  	[hbm4b:s29+s2] =	stream.linear.scatter [tilespmem:s7], [sflag:$0x2], $0x2800, $0x38;
	[tilespmem:$0x5680] =	vst v63  }
0x1c6: {  	_ =	swait.ge [sflag:s8], $0x2800  }
0x1c7: {  	[sflag:s8] =	ssyncset.done $0x0  }
0x1c8: {  	[sflag:s8] =	ssyncadd.s32 $0xFFFFD800  }
0x1c9: {  	_ =	swait.ge [sflag:s5], $0x2800  }
0x1ca: {  	[sflag:s5] =	ssyncset.done $0x0  }
0x1cb: {  	[sflag:s5] =	ssyncadd.s32 $0xFFFFD800  }
0x1cc: {  	[tilespmem:s7], [sflag:$0x1] =	stream.indirect.gather [hbm4b:s3+s9], $0x80, s24, s9, $0xb8;
	[tilespmem:$0x5680] =	vst v63  }
0x1cd: {  	s30 =	rddreg [dreg:$0xa]  }
0x1ce: {  	[hbm4b:s30+s2] =	stream.linear.scatter [tilespmem:s10], [sflag:$0x2], $0x2800, $0x38;
	[tilespmem:$0x5680] =	vst v63  }
0x1cf: {  	_ =	swait.ge [sflag:s8], $0x2800  }
0x1d0: {  	[sflag:s8] =	ssyncset.done $0x0  }
0x1d1: {  	[sflag:s8] =	ssyncadd.s32 $0xFFFFD800  }
0x1d2: {  	_ =	swait.ge [sflag:s5], $0x2800  }
0x1d3: {  	[sflag:s5] =	ssyncset.done $0x0  }
0x1d4: {  	[sflag:s5] =	ssyncadd.s32 $0xFFFFD800  }
0x1d5: {  	[tilespmem:s10], [sflag:$0x1] =	stream.indirect.gather [hbm4b:s3+s9], $0x80, s23, s9, $0xb8;
	[tilespmem:$0x5680] =	vst v63  }
0x1d6: {  	s31 =	rddreg [dreg:$0xb]  }
0x1d7: {  	[hbm4b:s31+s2] =	stream.linear.scatter [tilespmem:s7], [sflag:$0x2], $0x2800, $0x38;
	[tilespmem:$0x5680] =	vst v63  }
0x1d8: {  	_ =	swait.ge [sflag:s8], $0x2800  }
0x1d9: {  	[sflag:s8] =	ssyncset.done $0x0  }
0x1da: {  	[sflag:s8] =	ssyncadd.s32 $0xFFFFD800  }
0x1db: {  	_ =	swait.ge [sflag:s5], $0x2800  }
0x1dc: {  	[sflag:s5] =	ssyncset.done $0x0  }
0x1dd: {  	[sflag:s5] =	ssyncadd.s32 $0xFFFFD800  }
0x1de: {  	[tilespmem:s7], [sflag:$0x1] =	stream.indirect.gather [hbm4b:s3+s9], $0x80, s22, s9, $0xb8;
	[tilespmem:$0x5680] =	vst v63  }
0x1df: {  	s1 =	rddreg [dreg:$0xc]  }
0x1e0: {  	[hbm4b:s1+s2] =	stream.linear.scatter [tilespmem:s10], [sflag:$0x2], $0x2800, $0x38;
	[tilespmem:$0x5680] =	vst v63  }
0x1e1: {  	_ =	swait.ge [sflag:s8], $0x2800  }
0x1e2: {  	[sflag:s8] =	ssyncset.done $0x0  }
0x1e3: {  	[sflag:s8] =	ssyncadd.s32 $0xFFFFD800  }
0x1e4: {  	_ =	swait.ge [sflag:s5], $0x2800  }
0x1e5: {  	[sflag:s5] =	ssyncset.done $0x0  }
0x1e6: {  	[sflag:s5] =	ssyncadd.s32 $0xFFFFD800  }
0x1e7: {  	[tilespmem:s10], [sflag:$0x1] =	stream.indirect.gather [hbm4b:s3+s9], $0x80, s21, s9, $0xb8;
	[tilespmem:$0x5680] =	vst v63  }
0x1e8: {  	s22 =	rddreg [dreg:$0xd]  }
0x1e9: {  	[hbm4b:s22+s2] =	stream.linear.scatter [tilespmem:s7], [sflag:$0x2], $0x2800, $0x38;
	[tilespmem:$0x5680] =	vst v63  }
0x1ea: {  	_ =	swait.ge [sflag:s8], $0x2800  }
0x1eb: {  	[sflag:s8] =	ssyncset.done $0x0  }
0x1ec: {  	[sflag:s8] =	ssyncadd.s32 $0xFFFFD800  }
0x1ed: {  	_ =	swait.ge [sflag:s5], $0x2800  }
0x1ee: {  	[sflag:s5] =	ssyncset.done $0x0  }
0x1ef: {  	[sflag:s5] =	ssyncadd.s32 $0xFFFFD800  }
0x1f0: {  	[tilespmem:s7], [sflag:$0x1] =	stream.indirect.gather [hbm4b:s3+s9], $0x80, s20, s9, $0xb8;
	[tilespmem:$0x5680] =	vst v63  }
0x1f1: {  	s23 =	rddreg [dreg:$0xe]  }
0x1f2: {  	[hbm4b:s23+s2] =	stream.linear.scatter [tilespmem:s10], [sflag:$0x2], $0x2800, $0x38;
	[tilespmem:$0x5680] =	vst v63  }
0x1f3: {  	_ =	swait.ge [sflag:s8], $0x2800  }
0x1f4: {  	[sflag:s8] =	ssyncset.done $0x0  }
0x1f5: {  	[sflag:s8] =	ssyncadd.s32 $0xFFFFD800  }
0x1f6: {  	_ =	swait.ge [sflag:s5], $0x2800  }
0x1f7: {  	[sflag:s5] =	ssyncset.done $0x0  }
0x1f8: {  	[sflag:s5] =	ssyncadd.s32 $0xFFFFD800  }
0x1f9: {  	[tilespmem:s10], [sflag:$0x1] =	stream.indirect.gather [hbm4b:s3+s9], $0x80, s19, s9, $0xb8;
	[tilespmem:$0x5680] =	vst v63  }
0x1fa: {  	s24 =	rddreg [dreg:$0xf]  }
0x1fb: {  	[hbm4b:s24+s2] =	stream.linear.scatter [tilespmem:s7], [sflag:$0x2], $0x2800, $0x38;
	[tilespmem:$0x5680] =	vst v63  }
0x1fc: {  	_ =	swait.ge [sflag:s8], $0x2800  }
0x1fd: {  	[sflag:s8] =	ssyncset.done $0x0  }
0x1fe: {  	[sflag:s8] =	ssyncadd.s32 $0xFFFFD800  }
0x1ff: {  	_ =	swait.ge [sflag:s5], $0x2800  }
0x200: {  	[sflag:s5] =	ssyncset.done $0x0  }
0x201: {  	[sflag:s5] =	ssyncadd.s32 $0xFFFFD800  }
0x202: {  	[tilespmem:s7], [sflag:$0x1] =	stream.indirect.gather [hbm4b:s3+s9], $0x80, s18, s9, $0xb8;
	[tilespmem:$0x5680] =	vst v63  }
0x203: {  	s25 =	rddreg [dreg:$0x10]  }
0x204: {  	[hbm4b:s25+s2] =	stream.linear.scatter [tilespmem:s10], [sflag:$0x2], $0x2800, $0x38;
	[tilespmem:$0x5680] =	vst v63  }
0x205: {  	_ =	swait.ge [sflag:s8], $0x2800  }
0x206: {  	[sflag:s8] =	ssyncset.done $0x0  }
0x207: {  	[sflag:s8] =	ssyncadd.s32 $0xFFFFD800  }
0x208: {  	_ =	swait.ge [sflag:s5], $0x2800  }
0x209: {  	[sflag:s5] =	ssyncset.done $0x0  }
0x20a: {  	[sflag:s5] =	ssyncadd.s32 $0xFFFFD800  }
0x20b: {  	[tilespmem:s10], [sflag:$0x1] =	stream.indirect.gather [hbm4b:s3+s9], $0x80, s17, s9, $0xb8;
	[tilespmem:$0x5680] =	vst v63  }
0x20c: {  	s26 =	rddreg [dreg:$0x11]  }
0x20d: {  	[hbm4b:s26+s2] =	stream.linear.scatter [tilespmem:s7], [sflag:$0x2], $0x2800, $0x38;
	[tilespmem:$0x5680] =	vst v63  }
0x20e: {  	_ =	swait.ge [sflag:s8], $0x2800  }
0x20f: {  	[sflag:s8] =	ssyncset.done $0x0  }
0x210: {  	[sflag:s8] =	ssyncadd.s32 $0xFFFFD800  }
0x211: {  	_ =	swait.ge [sflag:s5], $0x2800  }
0x212: {  	[sflag:s5] =	ssyncset.done $0x0  }
0x213: {  	[sflag:s5] =	ssyncadd.s32 $0xFFFFD800  }
0x214: {  	[tilespmem:s7], [sflag:$0x1] =	stream.indirect.gather [hbm4b:s3+s9], $0x80, s16, s9, $0xb8;
	[tilespmem:$0x5680] =	vst v63  }
0x215: {  	s28 =	rddreg [dreg:$0x12]  }
0x216: {  	[hbm4b:s28+s2] =	stream.linear.scatter [tilespmem:s10], [sflag:$0x2], $0x2800, $0x38;
	[tilespmem:$0x5680] =	vst v63  }
0x217: {  	_ =	swait.ge [sflag:s8], $0x2800  }
0x218: {  	[sflag:s8] =	ssyncset.done $0x0  }
0x219: {  	[sflag:s8] =	ssyncadd.s32 $0xFFFFD800  }
0x21a: {  	_ =	swait.ge [sflag:s5], $0x2800  }
0x21b: {  	[sflag:s5] =	ssyncset.done $0x0  }
0x21c: {  	[sflag:s5] =	ssyncadd.s32 $0xFFFFD800  }
0x21d: {  	[tilespmem:s10], [sflag:$0x1] =	stream.indirect.gather [hbm4b:s3+s9], $0x80, s15, s9, $0xb8;
	[tilespmem:$0x5680] =	vst v63  }
0x21e: {  	s29 =	rddreg [dreg:$0x13]  }
0x21f: {  	[hbm4b:s29+s2] =	stream.linear.scatter [tilespmem:s7], [sflag:$0x2], $0x2800, $0x38;
	[tilespmem:$0x5680] =	vst v63  }
0x220: {  	_ =	swait.ge [sflag:s8], $0x2800  }
0x221: {  	[sflag:s8] =	ssyncset.done $0x0  }
0x222: {  	[sflag:s8] =	ssyncadd.s32 $0xFFFFD800  }
0x223: {  	_ =	swait.ge [sflag:s5], $0x2800  }
0x224: {  	[sflag:s5] =	ssyncset.done $0x0  }
0x225: {  	[sflag:s5] =	ssyncadd.s32 $0xFFFFD800  }
0x226: {  	[tilespmem:s7], [sflag:$0x1] =	stream.indirect.gather [hbm4b:s3+s9], $0x80, s14, s9, $0xb8;
	[tilespmem:$0x5680] =	vst v63  }
0x227: {  	s30 =	rddreg [dreg:$0x14]  }
0x228: {  	[hbm4b:s30+s2] =	stream.linear.scatter [tilespmem:s10], [sflag:$0x2], $0x2800, $0x38;
	[tilespmem:$0x5680] =	vst v63  }
0x229: {  	_ =	swait.ge [sflag:s8], $0x2800  }
0x22a: {  	[sflag:s8] =	ssyncset.done $0x0  }
0x22b: {  	[sflag:s8] =	ssyncadd.s32 $0xFFFFD800  }
0x22c: {  	_ =	swait.ge [sflag:s5], $0x2800  }
0x22d: {  	[sflag:s5] =	ssyncset.done $0x0  }
0x22e: {  	[sflag:s5] =	ssyncadd.s32 $0xFFFFD800  }
0x22f: {  	[tilespmem:s10], [sflag:$0x1] =	stream.indirect.gather [hbm4b:s3+s9], $0x80, s13, s9, $0xb8;
	[tilespmem:$0x5680] =	vst v63  }
0x230: {  	_ = 	snop  }
0x231: {  	[hbm4b:s11+s2] =	stream.linear.scatter [tilespmem:s7], [sflag:$0x2], $0x2800, $0x38;
	[tilespmem:$0x5680] =	vst v63  }
0x232: {  	_ =	swait.ge [sflag:s8], $0x2800  }
0x233: {  	[sflag:s8] =	ssyncset.done $0x0  }
0x234: {  	[sflag:s8] =	ssyncadd.s32 $0xFFFFD800  }
0x235: {  	_ =	swait.ge [sflag:s5], $0x2800  }
0x236: {  	[sflag:s5] =	ssyncset.done $0x0  }
0x237: {  	[sflag:s5] =	ssyncadd.s32 $0xFFFFD800  }
0x238: {  	[tilespmem:s7], [sflag:$0x1] =	stream.indirect.gather [hbm4b:s3+s9], $0x80, s12, s9, $0xb8;
	[tilespmem:$0x5680] =	vst v63  }
0x239: {  	_ = 	snop  }
0x23a: {  	[hbm4b:s6+s2] =	stream.linear.scatter [tilespmem:s10], [sflag:$0x2], $0x2800, $0x38;
	[tilespmem:$0x5680] =	vst v63  }
0x23b: {  	_ =	swait.ge [sflag:s8], $0x2800  }
0x23c: {  	[sflag:s8] =	ssyncset.done $0x0  }
0x23d: {  	[sflag:s8] =	ssyncadd.s32 $0xFFFFD800  }
0x23e: {  	_ =	swait.ge [sflag:s5], $0x2800  }
0x23f: {  	[sflag:s5] =	ssyncset.done $0x0  }
0x240: {  	[sflag:s5] =	ssyncadd.s32 $0xFFFFD800  }
0x241: {  	[hbm4b:s4+s2] =	stream.linear.scatter [tilespmem:s7], [sflag:$0x2], $0x2800, $0x38;
	[tilespmem:$0x5680] =	vst v63  }
0x242: {  	_ =	swait.ge [sflag:s5], $0x2800  }
0x243: {  	[sflag:s5] =	ssyncset.done $0x0  }
0x244: {  	[sflag:s5] =	ssyncadd.s32 $0xFFFFD800  }
0x245: {  	_ =	sfence.sel $0x180000  }
0x246: {  	[bflag:$0x0] =	sbarrier.arrive $0xFFFF  }
0x247: {  	_ =	strace $0x90000047  }
0x248: {  	s31 =	stileid.u32;
	[bflag:$0x2] =	sbarrier.arrive $0xFFFF  }
0x249: {  	p0 =	sne.s32 s31, $0x0;
	s0 =	rddreg [dreg:$0x2]  }
0x24a: {  	s0 =	sadd.s32 @!p0 $0x100000, s0  }
0x24b: {  	[sflag:s0] =	ssyncadd.tile.s32 @!p0 $0x1;
	_ =	shalt  }
.Lfunc_end2:
_tile_overlayer_lowered:
.L_overlay_start_2:
0x24c: {  	(tag) =	ssettag $0x2  }
0x24d: {  	s0 =	rddreg [dreg:$0x0];
	s2 =	stileid.u32  }
0x24e: {  	s1 =	rddreg [dreg:$0x1];
	p0 =	sne.s32 s2, $0x0  }
0x24f: {  	s3 =	rddreg [dreg:$0x2];
	[bflag:$0x3] =	sbarrier.arrive $0xFFFF;
	s2 =	simm.s32 @!p0 $0x1C03  }
0x250: {  	[timem:s3], [sflag:s2] =	dma.local @!p0 [hbm:s0], s1  }
0x251: {  	s0 =	simm.s32 @!p0 $0x3  }
0x252: {  	_ =	swait.ge @!p0 [sflag:s0], s1  }
0x253: {  	s1 =	ssub.s32 @!p0 $0x0, s1;
	[sflag:s0] =	ssyncset.done @!p0 $0x0  }
0x254: {  	[sflag:s0] =	ssyncadd.s32 @!p0 s1  }
0x255: {  	[bflag:$0x3] =	sbarrier.arrive $0xFFFF  }
0x256: {  	_ =	shalt  }

</sc_bundles>
